<compile_context>
chip_gen: v7x
topology: tpu7x:2x2x1
jax: 0.10.2.dev20260603
libtpu: 0.0.44.dev20260713+nightly
codegen_flags: <defaults>
</compile_context>

<pallas_src>
import functools

import jax
import jax.numpy as jnp
from jax import lax
from jax.experimental import pallas as pl
from jax.experimental.pallas import tpu as pltpu
from jax.experimental.pallas import tpu_sc as plsc

NC = 2
NS = 16
CHUNK = 80


def _sc_segment_sum(feats2, edge_r, z_feat, z_cnt, ones8, V, H, n_chunks):
    r_stride, r_len = 624, 640
    assert (NS - 1) * r_stride + r_len == V
    mesh = plsc.VectorSubcoreMesh(core_axis_name="c", subcore_axis_name="s")

    @functools.partial(
        pl.kernel,
        mesh=mesh,
        compiler_params=pltpu.CompilerParams(use_tc_tiling_on_sc=False),
        out_type=(
            jax.ShapeDtypeStruct((V, H), jnp.float32),
            jax.ShapeDtypeStruct((V, H), jnp.float32),
            jax.ShapeDtypeStruct((V, 8), jnp.float32),
        ),
        scratch_types=[
            pltpu.VMEM((n_chunks, CHUNK), jnp.int32),
            pltpu.VMEM((n_chunks, CHUNK), jnp.int32),
            pltpu.VMEM((CHUNK, H), jnp.float32),
            pltpu.VMEM((CHUNK, H), jnp.float32),
            pltpu.VMEM((CHUNK, H), jnp.float32),
            pltpu.VMEM((CHUNK, H), jnp.float32),
            pltpu.VMEM((CHUNK, H), jnp.float32),
            pltpu.VMEM((CHUNK, 8), jnp.float32),
            pltpu.VMEM_SHARED((V, H), jnp.float32),
            pltpu.VMEM_SHARED((V, 8), jnp.float32),
        ] + [pltpu.SemaphoreType.DMA] * 10,
    )
    def sc_kernel(f2_hbm, edge_hbm, zf_hbm, zc_hbm, ones_hbm,
                  sum_lo_out, sum_hi_out, counts_out,
                  src_v, tgt_v,
                  rows0, rows1, rows2, rows3, rows4, ones_v,
                  acc_sh, cnt_sh, *sems):
        c = lax.axis_index("c")
        s = lax.axis_index("s")
        r0 = s * r_stride

        pltpu.sync_copy(zf_hbm, acc_sh.at[pl.ds(r0, r_len)])
        pltpu.sync_copy(edge_hbm.at[0, s], src_v)
        pltpu.sync_copy(edge_hbm.at[1, s], tgt_v)

        @pl.when(c == 0)
        def _():
            pltpu.sync_copy(zc_hbm, cnt_sh.at[pl.ds(r0, r_len)])
            pltpu.sync_copy(ones_hbm, ones_v)

        def idx_body(i, carry):
            for k in range(CHUNK // 16):
                sl = pl.ds(16 * k, 16)
                src_v[i, sl] = src_v[i, sl] * 2 + c
            return carry

        lax.fori_loop(0, n_chunks, idx_body, 0)

        plsc.subcore_barrier()

        D = 5
        bufs = (rows0, rows1, rows2, rows3, rows4)
        gsems, ssems = sems[0:D], sems[D:2 * D]
        csems = ssems

        def start_gather(i, buf, sem):
            pltpu.async_copy(f2_hbm.at[src_v.at[i]], buf, sem)

        def wait_gather(buf, sem):
            pltpu.make_async_copy(f2_hbm.at[pl.ds(0, CHUNK)], buf, sem).wait()

        def start_scatter(i, buf, sem):
            pltpu.async_copy(buf, acc_sh.at[tgt_v.at[i]], sem, add=True)

        def wait_scatter(buf, sem):
            pltpu.make_async_copy(buf, acc_sh.at[pl.ds(0, CHUNK)], sem).wait()

        def start_counts(i, sem):
            @pl.when(c == 0)
            def _():
                pltpu.async_copy(ones_v, cnt_sh.at[tgt_v.at[i]], sem,
                                 add=True)

        def wait_counts(sem):
            @pl.when(c == 0)
            def _():
                pltpu.make_async_copy(ones_v, cnt_sh.at[pl.ds(0, CHUNK)],
                                      sem).wait()

        def chunk_step(j, p, prefetch):
            wait_gather(bufs[p], gsems[p])
            start_scatter(j, bufs[p], ssems[p])
            start_counts(j, csems[p])
            if prefetch:
                p4 = (p + 4) % D
                wait_scatter(bufs[p4], ssems[p4])
                wait_counts(csems[p4])
                start_gather(j + 4, bufs[p4], gsems[p4])

        for j in range(D - 1):
            start_gather(j, bufs[j], gsems[j])
        wait_gather(bufs[0], gsems[0])
        start_scatter(0, bufs[0], ssems[0])
        start_counts(0, csems[0])
        start_gather(D - 1, bufs[D - 1], gsems[D - 1])

        def group_body(q, carry):
            j = D * q + 1
            for t in range(D):
                chunk_step(j + t, (1 + t) % D, True)
            return carry

        lax.fori_loop(0, (n_chunks - 1 - (D - 1)) // D, group_body, 0)
        for j in range(n_chunks - (D - 1), n_chunks):
            chunk_step(j, j % D, False)

        for p in range(D):
            wait_scatter(bufs[p], ssems[p])
            wait_counts(csems[p])

        plsc.subcore_barrier()

        @pl.when(c == 0)
        def _():
            pltpu.sync_copy(acc_sh.at[pl.ds(r0, r_len)],
                            sum_lo_out.at[pl.ds(r0, r_len)])
            pltpu.sync_copy(cnt_sh.at[pl.ds(r0, r_len)],
                            counts_out.at[pl.ds(r0, r_len)])

        @pl.when(c == 1)
        def _():
            pltpu.sync_copy(acc_sh.at[pl.ds(r0, r_len)],
                            sum_hi_out.at[pl.ds(r0, r_len)])

    return sc_kernel(feats2, edge_r, z_feat, z_cnt, ones8)


def _tc_combine(features, sum_lo, sum_hi, counts, A, B2L, B2H, bias, V, C, H):
    BLK = 1000
    grid = (V // BLK,)

    def body(f_ref, sl_ref, sh_ref, c_ref, a_ref, b2l_ref, b2h_ref,
             bias_ref, o_ref):
        cnt = c_ref[:, 0:1]
        mask = (cnt > 0.0).astype(jnp.float32)
        inv = 1.0 / jnp.maximum(cnt, 1.0)
        local = jnp.dot(f_ref[...], a_ref[...],
                        preferred_element_type=jnp.float32)
        nbr = (jnp.dot(sl_ref[...] * inv, b2l_ref[...],
                       preferred_element_type=jnp.float32)
               + jnp.dot(sh_ref[...] * inv, b2h_ref[...],
                         preferred_element_type=jnp.float32))
        o_ref[...] = mask * (local + bias_ref[...]) + nbr

    return pl.pallas_call(
        body,
        grid=grid,
        in_specs=[
            pl.BlockSpec((BLK, C), lambda i: (i, 0)),
            pl.BlockSpec((BLK, H), lambda i: (i, 0)),
            pl.BlockSpec((BLK, H), lambda i: (i, 0)),
            pl.BlockSpec((BLK, 8), lambda i: (i, 0)),
            pl.BlockSpec((C, C), lambda i: (0, 0)),
            pl.BlockSpec((H, C), lambda i: (0, 0)),
            pl.BlockSpec((H, C), lambda i: (0, 0)),
            pl.BlockSpec((1, C), lambda i: (0, 0)),
        ],
        out_specs=pl.BlockSpec((BLK, C), lambda i: (i, 0)),
        out_shape=jax.ShapeDtypeStruct((V, C), jnp.float32),
    )(features, sum_lo, sum_hi, counts, A, B2L, B2H, bias)


def kernel(features, edge_index, W, b):
    V, C = features.shape
    H = C // 2
    E = edge_index.shape[1]
    n_chunks = E // (NS * CHUNK)
    edge_r = edge_index.reshape(2, NS, n_chunks, CHUNK)
    feats2 = features.reshape(2 * V, H)
    z_feat = jnp.zeros((640, H), jnp.float32)
    z_cnt = jnp.zeros((640, 8), jnp.float32)
    ones8 = jnp.ones((CHUNK, 8), jnp.float32)
    sum_lo, sum_hi, counts = _sc_segment_sum(
        feats2, edge_r, z_feat, z_cnt, ones8, V, H, n_chunks)
    W1 = W[:, :C]
    W2 = W[:, C:]
    A = (W1 - W2).T
    B2 = W2.T
    return _tc_combine(features, sum_lo, sum_hi, counts,
                       A, B2[:H], B2[H:], b.reshape(1, C), V, C, H)

# --- scband reference (transcript-rebuilt; emitter-appended) ---
"""Pipeline reference for scband-edge-conv-17609365914509 (READ-ONLY COPY).

The authoritative reference and input builder live on the scoring server;
editing this copy changes nothing except your own understanding.
"""

import jax, jax.numpy as jnp
import numpy as np

V = 10000
E = 320000
C = 128
OUT = 128


def setup_inputs(seed: int = 0) -> dict:
    key = jax.random.key(seed)
    k1, k2, k3, k4 = jax.random.split(key, 4)
    features = jax.random.normal(k1, (V, C), dtype=jnp.float32)
    edge_index = jax.random.randint(k2, (2, E), 0, V, dtype=jnp.int32)
    # Conv1d with kernel_size=1 over (2*C) input channels is a linear layer.
    # torch weight shape is (OUT, 2*C, 1); we store it as (OUT, 2*C).
    W = jax.random.normal(k3, (OUT, 2 * C), dtype=jnp.float32) * (1.0 / np.sqrt(2 * C))
    b = jax.random.normal(k4, (OUT,), dtype=jnp.float32) * 0.01
    return {"features": features, "edge_index": edge_index, "W": W, "b": b}


def reference(features, edge_index, W, b):
    src = edge_index[0]
    tgt = edge_index[1]
    # gather neighbor and local vertex features per edge
    neighbors = jnp.take(features, src, axis=0)
    local = jnp.take(features, tgt, axis=0)
    x = jnp.concatenate([local, neighbors - local], axis=-1)  # [E, 2C]
    # pointwise conv1d (kernel_size=1) == linear
    y = x @ W.T + b  # [E, OUT]
    # scatter_reduce(reduce='mean', include_self=False): mean over incoming edges,
    # vertices with no edges stay at zero
    sums = jax.ops.segment_sum(y, tgt, num_segments=V)
    counts = jax.ops.segment_sum(jnp.ones((E,), dtype=y.dtype), tgt, num_segments=V)
    denom = jnp.maximum(counts, 1.0)[:, None]
    reduced = sums / denom
    return reduced

if __name__ == "__main__":
    import jax
    _d = setup_inputs()
    print(jax.jit(kernel)(*tuple(_d.values())))

</pallas_src>

<mosaic_0001>
#map = affine_map<(d0, d1) -> (0, 0)>
#map1 = affine_map<(d0, d1) -> (0, 0, 0, 0)>
module attributes {stable_mosaic.version = 14 : i64} {
  func.func @sc_kernel(%arg0: i32, %arg1: i32, %arg2: memref<20000x64xf32, #tpu.memory_space<hbm>>, %arg3: memref<2x16x250x80xi32, #tpu.memory_space<hbm>>, %arg4: memref<640x64xf32, #tpu.memory_space<hbm>>, %arg5: memref<640x8xf32, #tpu.memory_space<hbm>>, %arg6: memref<80x8xf32, #tpu.memory_space<hbm>>, %arg7: memref<10000x64xf32, #tpu.memory_space<hbm>>, %arg8: memref<10000x64xf32, #tpu.memory_space<hbm>>, %arg9: memref<10000x8xf32, #tpu.memory_space<hbm>>, %arg10: memref<250x80xi32, #tpu.memory_space<vmem>>, %arg11: memref<250x80xi32, #tpu.memory_space<vmem>>, %arg12: memref<80x64xf32, #tpu.memory_space<vmem>>, %arg13: memref<80x64xf32, #tpu.memory_space<vmem>>, %arg14: memref<80x64xf32, #tpu.memory_space<vmem>>, %arg15: memref<80x64xf32, #tpu.memory_space<vmem>>, %arg16: memref<80x64xf32, #tpu.memory_space<vmem>>, %arg17: memref<80x8xf32, #tpu.memory_space<vmem>>, %arg18: memref<10000x64xf32, #tpu.memory_space<vmem_shared>>, %arg19: memref<10000x8xf32, #tpu.memory_space<vmem_shared>>, %arg20: memref<!tpu.dma_semaphore, #tpu.memory_space<semaphore_mem>>, %arg21: memref<!tpu.dma_semaphore, #tpu.memory_space<semaphore_mem>>, %arg22: memref<!tpu.dma_semaphore, #tpu.memory_space<semaphore_mem>>, %arg23: memref<!tpu.dma_semaphore, #tpu.memory_space<semaphore_mem>>, %arg24: memref<!tpu.dma_semaphore, #tpu.memory_space<semaphore_mem>>, %arg25: memref<!tpu.dma_semaphore, #tpu.memory_space<semaphore_mem>>, %arg26: memref<!tpu.dma_semaphore, #tpu.memory_space<semaphore_mem>>, %arg27: memref<!tpu.dma_semaphore, #tpu.memory_space<semaphore_mem>>, %arg28: memref<!tpu.dma_semaphore, #tpu.memory_space<semaphore_mem>>, %arg29: memref<!tpu.dma_semaphore, #tpu.memory_space<semaphore_mem>>) attributes {dimension_semantics = [#tpu.dimension_semantics<core_parallel>, #tpu.dimension_semantics<subcore_parallel>], iteration_bounds = array<i64: 2, 16>, scalar_prefetch = 0 : i64, scratch_operands = 20 : i64, tpu.core_type = #tpu.core_type<sc_vector_subcore>, window_params = [{transform_indices = #map}, {transform_indices = #map1}, {transform_indices = #map}, {transform_indices = #map}, {transform_indices = #map}, {transform_indices = #map}, {transform_indices = #map}, {transform_indices = #map}]} {
    %mul3A = arith.constant 624 : i32
    %mul3A_0 = arith.muli %arg1, %mul3A : i32
    "tpu.region"() ({
      %run_scoped3A_204 = tpu.sem_alloc : memref<!tpu.dma_semaphore, #tpu.memory_space<semaphore_mem>>
      %dma_start3A_205 = arith.constant 0 : i32
      %dma_start3A_206 = tpu.memref_slice %arg18[%mul3A_0, %dma_start3A_205] : memref<10000x64xf32, #tpu.memory_space<vmem_shared>> -> memref<640x64xf32, #tpu.memory_space<vmem_shared>>
      tpu.enqueue_dma source(%arg4 : memref<640x64xf32, #tpu.memory_space<hbm>>) target(%dma_start3A_206 : memref<640x64xf32, #tpu.memory_space<vmem_shared>>) target_semaphore(%run_scoped3A_204 : memref<!tpu.dma_semaphore, #tpu.memory_space<semaphore_mem>>)
      %dma_wait3A_207 = arith.constant 0 : i32
      %dma_wait3A_208 = tpu.memref_slice %arg18[%mul3A_0, %dma_wait3A_207] : memref<10000x64xf32, #tpu.memory_space<vmem_shared>> -> memref<640x64xf32, #tpu.memory_space<vmem_shared>>
      tpu.wait_dma2 semaphore(%run_scoped3A_204 : memref<!tpu.dma_semaphore, #tpu.memory_space<semaphore_mem>>) src(%arg4 : memref<640x64xf32, #tpu.memory_space<hbm>>) dst(%dma_wait3A_208 : memref<640x64xf32, #tpu.memory_space<vmem_shared>>)
      tpu.yield
    }) : () -> ()
    %run_scoped3A = arith.constant 0 : i32
    "tpu.region"() ({
      %run_scoped3A_204 = tpu.sem_alloc : memref<!tpu.dma_semaphore, #tpu.memory_space<semaphore_mem>>
      %dma_start3A_205 = arith.constant 0 : i32
      %dma_start3A_206 = arith.constant 0 : i32
      %dma_start3A_207 = tpu.memref_slice %arg3[%run_scoped3A, %arg1, %dma_start3A_205, %dma_start3A_206] : memref<2x16x250x80xi32, #tpu.memory_space<hbm>> -> memref<1x1x250x80xi32, #tpu.memory_space<hbm>>
      %dma_start3A_208 = tpu.memref_squeeze %dma_start3A_207 : memref<1x1x250x80xi32, #tpu.memory_space<hbm>> -> memref<250x80xi32, #tpu.memory_space<hbm>>
      %dma_start3A_209 = arith.constant 0 : i32
      %dma_start3A_210 = arith.constant 0 : i32
      %dma_start3A_211 = tpu.memref_slice %arg3[%run_scoped3A, %arg1, %dma_start3A_209, %dma_start3A_210] : memref<2x16x250x80xi32, #tpu.memory_space<hbm>> -> memref<1x1x250x80xi32, #tpu.memory_space<hbm>>
      %dma_start3A_212 = tpu.memref_squeeze %dma_start3A_211 : memref<1x1x250x80xi32, #tpu.memory_space<hbm>> -> memref<250x80xi32, #tpu.memory_space<hbm>>
      tpu.enqueue_dma source(%dma_start3A_212 : memref<250x80xi32, #tpu.memory_space<hbm>>) target(%arg10 : memref<250x80xi32, #tpu.memory_space<vmem>>) target_semaphore(%run_scoped3A_204 : memref<!tpu.dma_semaphore, #tpu.memory_space<semaphore_mem>>)
      %dma_wait3A_213 = arith.constant 0 : i32
      %dma_wait3A_214 = arith.constant 0 : i32
      %dma_wait3A_215 = tpu.memref_slice %arg3[%run_scoped3A, %arg1, %dma_wait3A_213, %dma_wait3A_214] : memref<2x16x250x80xi32, #tpu.memory_space<hbm>> -> memref<1x1x250x80xi32, #tpu.memory_space<hbm>>
      %dma_wait3A_216 = tpu.memref_squeeze %dma_wait3A_215 : memref<1x1x250x80xi32, #tpu.memory_space<hbm>> -> memref<250x80xi32, #tpu.memory_space<hbm>>
      %dma_wait3A_217 = arith.constant 0 : i32
      %dma_wait3A_218 = arith.constant 0 : i32
      %dma_wait3A_219 = tpu.memref_slice %arg3[%run_scoped3A, %arg1, %dma_wait3A_217, %dma_wait3A_218] : memref<2x16x250x80xi32, #tpu.memory_space<hbm>> -> memref<1x1x250x80xi32, #tpu.memory_space<hbm>>
      %dma_wait3A_220 = tpu.memref_squeeze %dma_wait3A_219 : memref<1x1x250x80xi32, #tpu.memory_space<hbm>> -> memref<250x80xi32, #tpu.memory_space<hbm>>
      tpu.wait_dma2 semaphore(%run_scoped3A_204 : memref<!tpu.dma_semaphore, #tpu.memory_space<semaphore_mem>>) src(%dma_wait3A_220 : memref<250x80xi32, #tpu.memory_space<hbm>>) dst(%arg10 : memref<250x80xi32, #tpu.memory_space<vmem>>)
      tpu.yield
    }) : () -> ()
    %run_scoped3A_1 = arith.constant 1 : i32
    "tpu.region"() ({
      %run_scoped3A_204 = tpu.sem_alloc : memref<!tpu.dma_semaphore, #tpu.memory_space<semaphore_mem>>
      %dma_start3A_205 = arith.constant 0 : i32
      %dma_start3A_206 = arith.constant 0 : i32
      %dma_start3A_207 = tpu.memref_slice %arg3[%run_scoped3A_1, %arg1, %dma_start3A_205, %dma_start3A_206] : memref<2x16x250x80xi32, #tpu.memory_space<hbm>> -> memref<1x1x250x80xi32, #tpu.memory_space<hbm>>
      %dma_start3A_208 = tpu.memref_squeeze %dma_start3A_207 : memref<1x1x250x80xi32, #tpu.memory_space<hbm>> -> memref<250x80xi32, #tpu.memory_space<hbm>>
      %dma_start3A_209 = arith.constant 0 : i32
      %dma_start3A_210 = arith.constant 0 : i32
      %dma_start3A_211 = tpu.memref_slice %arg3[%run_scoped3A_1, %arg1, %dma_start3A_209, %dma_start3A_210] : memref<2x16x250x80xi32, #tpu.memory_space<hbm>> -> memref<1x1x250x80xi32, #tpu.memory_space<hbm>>
      %dma_start3A_212 = tpu.memref_squeeze %dma_start3A_211 : memref<1x1x250x80xi32, #tpu.memory_space<hbm>> -> memref<250x80xi32, #tpu.memory_space<hbm>>
      tpu.enqueue_dma source(%dma_start3A_212 : memref<250x80xi32, #tpu.memory_space<hbm>>) target(%arg11 : memref<250x80xi32, #tpu.memory_space<vmem>>) target_semaphore(%run_scoped3A_204 : memref<!tpu.dma_semaphore, #tpu.memory_space<semaphore_mem>>)
      %dma_wait3A_213 = arith.constant 0 : i32
      %dma_wait3A_214 = arith.constant 0 : i32
      %dma_wait3A_215 = tpu.memref_slice %arg3[%run_scoped3A_1, %arg1, %dma_wait3A_213, %dma_wait3A_214] : memref<2x16x250x80xi32, #tpu.memory_space<hbm>> -> memref<1x1x250x80xi32, #tpu.memory_space<hbm>>
      %dma_wait3A_216 = tpu.memref_squeeze %dma_wait3A_215 : memref<1x1x250x80xi32, #tpu.memory_space<hbm>> -> memref<250x80xi32, #tpu.memory_space<hbm>>
      %dma_wait3A_217 = arith.constant 0 : i32
      %dma_wait3A_218 = arith.constant 0 : i32
      %dma_wait3A_219 = tpu.memref_slice %arg3[%run_scoped3A_1, %arg1, %dma_wait3A_217, %dma_wait3A_218] : memref<2x16x250x80xi32, #tpu.memory_space<hbm>> -> memref<1x1x250x80xi32, #tpu.memory_space<hbm>>
      %dma_wait3A_220 = tpu.memref_squeeze %dma_wait3A_219 : memref<1x1x250x80xi32, #tpu.memory_space<hbm>> -> memref<250x80xi32, #tpu.memory_space<hbm>>
      tpu.wait_dma2 semaphore(%run_scoped3A_204 : memref<!tpu.dma_semaphore, #tpu.memory_space<semaphore_mem>>) src(%dma_wait3A_220 : memref<250x80xi32, #tpu.memory_space<hbm>>) dst(%arg11 : memref<250x80xi32, #tpu.memory_space<vmem>>)
      tpu.yield
    }) : () -> ()
    %eq3A = arith.constant 0 : i32
    %eq3A_2 = arith.cmpi eq, %arg0, %eq3A : i32
    %convert_element_type3A = arith.extui %eq3A_2 : i1 to i32
    %cond3A = arith.constant 0 : i32
    %cond3A_3 = arith.cmpi ne, %convert_element_type3A, %cond3A : i32
    scf.if %cond3A_3 {
      "tpu.region"() ({
        %run_scoped3A_204 = tpu.sem_alloc : memref<!tpu.dma_semaphore, #tpu.memory_space<semaphore_mem>>
        %dma_start3A_205 = arith.constant 0 : i32
        %dma_start3A_206 = tpu.memref_slice %arg19[%mul3A_0, %dma_start3A_205] : memref<10000x8xf32, #tpu.memory_space<vmem_shared>> -> memref<640x8xf32, #tpu.memory_space<vmem_shared>>
        tpu.enqueue_dma source(%arg5 : memref<640x8xf32, #tpu.memory_space<hbm>>) target(%dma_start3A_206 : memref<640x8xf32, #tpu.memory_space<vmem_shared>>) target_semaphore(%run_scoped3A_204 : memref<!tpu.dma_semaphore, #tpu.memory_space<semaphore_mem>>)
        %dma_wait3A_207 = arith.constant 0 : i32
        %dma_wait3A_208 = tpu.memref_slice %arg19[%mul3A_0, %dma_wait3A_207] : memref<10000x8xf32, #tpu.memory_space<vmem_shared>> -> memref<640x8xf32, #tpu.memory_space<vmem_shared>>
        tpu.wait_dma2 semaphore(%run_scoped3A_204 : memref<!tpu.dma_semaphore, #tpu.memory_space<semaphore_mem>>) src(%arg5 : memref<640x8xf32, #tpu.memory_space<hbm>>) dst(%dma_wait3A_208 : memref<640x8xf32, #tpu.memory_space<vmem_shared>>)
        tpu.yield
      }) : () -> ()
      "tpu.region"() ({
        %run_scoped3A_204 = tpu.sem_alloc : memref<!tpu.dma_semaphore, #tpu.memory_space<semaphore_mem>>
        tpu.enqueue_dma source(%arg6 : memref<80x8xf32, #tpu.memory_space<hbm>>) target(%arg17 : memref<80x8xf32, #tpu.memory_space<vmem>>) target_semaphore(%run_scoped3A_204 : memref<!tpu.dma_semaphore, #tpu.memory_space<semaphore_mem>>)
        tpu.wait_dma2 semaphore(%run_scoped3A_204 : memref<!tpu.dma_semaphore, #tpu.memory_space<semaphore_mem>>) src(%arg6 : memref<80x8xf32, #tpu.memory_space<hbm>>) dst(%arg17 : memref<80x8xf32, #tpu.memory_space<vmem>>)
        tpu.yield
      }) : () -> ()
    } else {
    }
    %scan3A = arith.constant 0 : i32
    %scan3A_4 = arith.constant 0 : i32
    %scan3A_5 = arith.constant 250 : i32
    %scan3A_6 = arith.addi %scan3A_4, %scan3A_5 : i32
    %scan3A_7 = arith.constant 1 : i32
    scf.for %scan3A_204 = %scan3A_4 to %scan3A_6 step %scan3A_7  : i32 {
      %get3A = arith.index_cast %scan3A_204 : i32 to index
      %get3A_205 = arith.constant 0 : index
      %get3A_206 = tpu.vector_load %arg10[%get3A, %get3A_205] {strides = array<i32>} : memref<250x80xi32, #tpu.memory_space<vmem>>, vector<1x16xi32>,
      %get3A_207 = vector.shape_cast %get3A_206 : vector<1x16xi32> to vector<16xi32>
      %mul3A_208 = arith.constant 2 : i32
      %mul3A_209 = vector.broadcast %mul3A_208 : i32 to vector<16xi32>
      %mul3A_210 = arith.muli %get3A_207, %mul3A_209 : vector<16xi32>
      %add3A = vector.broadcast %arg0 : i32 to vector<16xi32>
      %add3A_211 = arith.addi %mul3A_210, %add3A : vector<16xi32>
      %swap3A = arith.index_cast %scan3A_204 : i32 to index
      %swap3A_212 = arith.constant 0 : index
      %swap3A_213 = tpu.vector_load %arg10[%swap3A, %swap3A_212] {strides = array<i32>} : memref<250x80xi32, #tpu.memory_space<vmem>>, vector<1x16xi32>,
      %swap3A_214 = vector.shape_cast %swap3A_213 : vector<1x16xi32> to vector<16xi32>
      %swap3A_215 = vector.shape_cast %add3A_211 : vector<16xi32> to vector<1x16xi32>
      tpu.vector_store %arg10[%swap3A, %swap3A_212], %swap3A_215 {strides = array<i32>} : memref<250x80xi32, #tpu.memory_space<vmem>>, vector<1x16xi32>,
      %get3A_216 = arith.index_cast %scan3A_204 : i32 to index
      %get3A_217 = arith.constant 16 : index
      %get3A_218 = tpu.vector_load %arg10[%get3A_216, %get3A_217] {strides = array<i32>} : memref<250x80xi32, #tpu.memory_space<vmem>>, vector<1x16xi32>,
      %get3A_219 = vector.shape_cast %get3A_218 : vector<1x16xi32> to vector<16xi32>
      %mul3A_220 = arith.constant 2 : i32
      %mul3A_221 = vector.broadcast %mul3A_220 : i32 to vector<16xi32>
      %mul3A_222 = arith.muli %get3A_219, %mul3A_221 : vector<16xi32>
      %add3A_223 = vector.broadcast %arg0 : i32 to vector<16xi32>
      %add3A_224 = arith.addi %mul3A_222, %add3A_223 : vector<16xi32>
      %swap3A_225 = arith.index_cast %scan3A_204 : i32 to index
      %swap3A_226 = arith.constant 16 : index
      %swap3A_227 = tpu.vector_load %arg10[%swap3A_225, %swap3A_226] {strides = array<i32>} : memref<250x80xi32, #tpu.memory_space<vmem>>, vector<1x16xi32>,
      %swap3A_228 = vector.shape_cast %swap3A_227 : vector<1x16xi32> to vector<16xi32>
      %swap3A_229 = vector.shape_cast %add3A_224 : vector<16xi32> to vector<1x16xi32>
      tpu.vector_store %arg10[%swap3A_225, %swap3A_226], %swap3A_229 {strides = array<i32>} : memref<250x80xi32, #tpu.memory_space<vmem>>, vector<1x16xi32>,
      %get3A_230 = arith.index_cast %scan3A_204 : i32 to index
      %get3A_231 = arith.constant 32 : index
      %get3A_232 = tpu.vector_load %arg10[%get3A_230, %get3A_231] {strides = array<i32>} : memref<250x80xi32, #tpu.memory_space<vmem>>, vector<1x16xi32>,
      %get3A_233 = vector.shape_cast %get3A_232 : vector<1x16xi32> to vector<16xi32>
      %mul3A_234 = arith.constant 2 : i32
      %mul3A_235 = vector.broadcast %mul3A_234 : i32 to vector<16xi32>
      %mul3A_236 = arith.muli %get3A_233, %mul3A_235 : vector<16xi32>
      %add3A_237 = vector.broadcast %arg0 : i32 to vector<16xi32>
      %add3A_238 = arith.addi %mul3A_236, %add3A_237 : vector<16xi32>
      %swap3A_239 = arith.index_cast %scan3A_204 : i32 to index
      %swap3A_240 = arith.constant 32 : index
      %swap3A_241 = tpu.vector_load %arg10[%swap3A_239, %swap3A_240] {strides = array<i32>} : memref<250x80xi32, #tpu.memory_space<vmem>>, vector<1x16xi32>,
      %swap3A_242 = vector.shape_cast %swap3A_241 : vector<1x16xi32> to vector<16xi32>
      %swap3A_243 = vector.shape_cast %add3A_238 : vector<16xi32> to vector<1x16xi32>
      tpu.vector_store %arg10[%swap3A_239, %swap3A_240], %swap3A_243 {strides = array<i32>} : memref<250x80xi32, #tpu.memory_space<vmem>>, vector<1x16xi32>,
      %get3A_244 = arith.index_cast %scan3A_204 : i32 to index
      %get3A_245 = arith.constant 48 : index
      %get3A_246 = tpu.vector_load %arg10[%get3A_244, %get3A_245] {strides = array<i32>} : memref<250x80xi32, #tpu.memory_space<vmem>>, vector<1x16xi32>,
      %get3A_247 = vector.shape_cast %get3A_246 : vector<1x16xi32> to vector<16xi32>
      %mul3A_248 = arith.constant 2 : i32
      %mul3A_249 = vector.broadcast %mul3A_248 : i32 to vector<16xi32>
      %mul3A_250 = arith.muli %get3A_247, %mul3A_249 : vector<16xi32>
      %add3A_251 = vector.broadcast %arg0 : i32 to vector<16xi32>
      %add3A_252 = arith.addi %mul3A_250, %add3A_251 : vector<16xi32>
      %swap3A_253 = arith.index_cast %scan3A_204 : i32 to index
      %swap3A_254 = arith.constant 48 : index
      %swap3A_255 = tpu.vector_load %arg10[%swap3A_253, %swap3A_254] {strides = array<i32>} : memref<250x80xi32, #tpu.memory_space<vmem>>, vector<1x16xi32>,
      %swap3A_256 = vector.shape_cast %swap3A_255 : vector<1x16xi32> to vector<16xi32>
      %swap3A_257 = vector.shape_cast %add3A_252 : vector<16xi32> to vector<1x16xi32>
      tpu.vector_store %arg10[%swap3A_253, %swap3A_254], %swap3A_257 {strides = array<i32>} : memref<250x80xi32, #tpu.memory_space<vmem>>, vector<1x16xi32>,
      %get3A_258 = arith.index_cast %scan3A_204 : i32 to index
      %get3A_259 = arith.constant 64 : index
      %get3A_260 = tpu.vector_load %arg10[%get3A_258, %get3A_259] {strides = array<i32>} : memref<250x80xi32, #tpu.memory_space<vmem>>, vector<1x16xi32>,
      %get3A_261 = vector.shape_cast %get3A_260 : vector<1x16xi32> to vector<16xi32>
      %mul3A_262 = arith.constant 2 : i32
      %mul3A_263 = vector.broadcast %mul3A_262 : i32 to vector<16xi32>
      %mul3A_264 = arith.muli %get3A_261, %mul3A_263 : vector<16xi32>
      %add3A_265 = vector.broadcast %arg0 : i32 to vector<16xi32>
      %add3A_266 = arith.addi %mul3A_264, %add3A_265 : vector<16xi32>
      %swap3A_267 = arith.index_cast %scan3A_204 : i32 to index
      %swap3A_268 = arith.constant 64 : index
      %swap3A_269 = tpu.vector_load %arg10[%swap3A_267, %swap3A_268] {strides = array<i32>} : memref<250x80xi32, #tpu.memory_space<vmem>>, vector<1x16xi32>,
      %swap3A_270 = vector.shape_cast %swap3A_269 : vector<1x16xi32> to vector<16xi32>
      %swap3A_271 = vector.shape_cast %add3A_266 : vector<16xi32> to vector<1x16xi32>
      tpu.vector_store %arg10[%swap3A_267, %swap3A_268], %swap3A_271 {strides = array<i32>} : memref<250x80xi32, #tpu.memory_space<vmem>>, vector<1x16xi32>,
    }
    %scan3A_8 = arith.constant 250 : i32
    %barrier3A = arith.constant 0 : index
    tpu.barrier barrier_id(%barrier3A)
    %dma_start3A = arith.constant 0 : i32
    %dma_start3A_9 = arith.constant 0 : i32
    %dma_start3A_10 = tpu.memref_slice %arg10[%dma_start3A, %dma_start3A_9] : memref<250x80xi32, #tpu.memory_space<vmem>> -> memref<1x80xi32, #tpu.memory_space<vmem>>
    %dma_start3A_11 = tpu.memref_squeeze %dma_start3A_10 : memref<1x80xi32, #tpu.memory_space<vmem>> -> memref<80xi32, #tpu.memory_space<vmem>>
    %dma_start3A_12 = arith.constant 0 : i32
    %dma_start3A_13 = arith.constant 0 : i32
    %dma_start3A_14 = tpu.memref_slice %arg2[%dma_start3A_12, %dma_start3A_13] : memref<20000x64xf32, #tpu.memory_space<hbm>> -> memref<20000x64xf32, #tpu.memory_space<hbm>>
    tpu.enqueue_indirect_dma source(%dma_start3A_14 : memref<20000x64xf32, #tpu.memory_space<hbm>>) target(%arg12 : memref<80x64xf32, #tpu.memory_space<vmem>>) offsets(%dma_start3A_11 : memref<80xi32, #tpu.memory_space<vmem>>) semaphore(%arg20 : memref<!tpu.dma_semaphore, #tpu.memory_space<semaphore_mem>>)
    %dma_start3A_15 = arith.constant 1 : i32
    %dma_start3A_16 = arith.constant 0 : i32
    %dma_start3A_17 = tpu.memref_slice %arg10[%dma_start3A_15, %dma_start3A_16] : memref<250x80xi32, #tpu.memory_space<vmem>> -> memref<1x80xi32, #tpu.memory_space<vmem>>
    %dma_start3A_18 = tpu.memref_squeeze %dma_start3A_17 : memref<1x80xi32, #tpu.memory_space<vmem>> -> memref<80xi32, #tpu.memory_space<vmem>>
    %dma_start3A_19 = arith.constant 0 : i32
    %dma_start3A_20 = arith.constant 0 : i32
    %dma_start3A_21 = tpu.memref_slice %arg2[%dma_start3A_19, %dma_start3A_20] : memref<20000x64xf32, #tpu.memory_space<hbm>> -> memref<20000x64xf32, #tpu.memory_space<hbm>>
    tpu.enqueue_indirect_dma source(%dma_start3A_21 : memref<20000x64xf32, #tpu.memory_space<hbm>>) target(%arg13 : memref<80x64xf32, #tpu.memory_space<vmem>>) offsets(%dma_start3A_18 : memref<80xi32, #tpu.memory_space<vmem>>) semaphore(%arg21 : memref<!tpu.dma_semaphore, #tpu.memory_space<semaphore_mem>>)
    %dma_start3A_22 = arith.constant 2 : i32
    %dma_start3A_23 = arith.constant 0 : i32
    %dma_start3A_24 = tpu.memref_slice %arg10[%dma_start3A_22, %dma_start3A_23] : memref<250x80xi32, #tpu.memory_space<vmem>> -> memref<1x80xi32, #tpu.memory_space<vmem>>
    %dma_start3A_25 = tpu.memref_squeeze %dma_start3A_24 : memref<1x80xi32, #tpu.memory_space<vmem>> -> memref<80xi32, #tpu.memory_space<vmem>>
    %dma_start3A_26 = arith.constant 0 : i32
    %dma_start3A_27 = arith.constant 0 : i32
    %dma_start3A_28 = tpu.memref_slice %arg2[%dma_start3A_26, %dma_start3A_27] : memref<20000x64xf32, #tpu.memory_space<hbm>> -> memref<20000x64xf32, #tpu.memory_space<hbm>>
    tpu.enqueue_indirect_dma source(%dma_start3A_28 : memref<20000x64xf32, #tpu.memory_space<hbm>>) target(%arg14 : memref<80x64xf32, #tpu.memory_space<vmem>>) offsets(%dma_start3A_25 : memref<80xi32, #tpu.memory_space<vmem>>) semaphore(%arg22 : memref<!tpu.dma_semaphore, #tpu.memory_space<semaphore_mem>>)
    %dma_start3A_29 = arith.constant 3 : i32
    %dma_start3A_30 = arith.constant 0 : i32
    %dma_start3A_31 = tpu.memref_slice %arg10[%dma_start3A_29, %dma_start3A_30] : memref<250x80xi32, #tpu.memory_space<vmem>> -> memref<1x80xi32, #tpu.memory_space<vmem>>
    %dma_start3A_32 = tpu.memref_squeeze %dma_start3A_31 : memref<1x80xi32, #tpu.memory_space<vmem>> -> memref<80xi32, #tpu.memory_space<vmem>>
    %dma_start3A_33 = arith.constant 0 : i32
    %dma_start3A_34 = arith.constant 0 : i32
    %dma_start3A_35 = tpu.memref_slice %arg2[%dma_start3A_33, %dma_start3A_34] : memref<20000x64xf32, #tpu.memory_space<hbm>> -> memref<20000x64xf32, #tpu.memory_space<hbm>>
    tpu.enqueue_indirect_dma source(%dma_start3A_35 : memref<20000x64xf32, #tpu.memory_space<hbm>>) target(%arg15 : memref<80x64xf32, #tpu.memory_space<vmem>>) offsets(%dma_start3A_32 : memref<80xi32, #tpu.memory_space<vmem>>) semaphore(%arg23 : memref<!tpu.dma_semaphore, #tpu.memory_space<semaphore_mem>>)
    %dma_wait3A = arith.constant 0 : i32
    %dma_wait3A_36 = arith.constant 0 : i32
    %dma_wait3A_37 = tpu.memref_slice %arg2[%dma_wait3A, %dma_wait3A_36] : memref<20000x64xf32, #tpu.memory_space<hbm>> -> memref<80x64xf32, #tpu.memory_space<hbm>>
    %dma_wait3A_38 = arith.constant 0 : i32
    %dma_wait3A_39 = arith.constant 0 : i32
    %dma_wait3A_40 = tpu.memref_slice %arg2[%dma_wait3A_38, %dma_wait3A_39] : memref<20000x64xf32, #tpu.memory_space<hbm>> -> memref<80x64xf32, #tpu.memory_space<hbm>>
    tpu.wait_dma2 semaphore(%arg20 : memref<!tpu.dma_semaphore, #tpu.memory_space<semaphore_mem>>) src(%dma_wait3A_40 : memref<80x64xf32, #tpu.memory_space<hbm>>) dst(%arg12 : memref<80x64xf32, #tpu.memory_space<vmem>>)
    %dma_start3A_41 = arith.constant 0 : i32
    %dma_start3A_42 = arith.constant 0 : i32
    %dma_start3A_43 = tpu.memref_slice %arg11[%dma_start3A_41, %dma_start3A_42] : memref<250x80xi32, #tpu.memory_space<vmem>> -> memref<1x80xi32, #tpu.memory_space<vmem>>
    %dma_start3A_44 = tpu.memref_squeeze %dma_start3A_43 : memref<1x80xi32, #tpu.memory_space<vmem>> -> memref<80xi32, #tpu.memory_space<vmem>>
    %dma_start3A_45 = arith.constant 0 : i32
    %dma_start3A_46 = arith.constant 0 : i32
    %dma_start3A_47 = tpu.memref_slice %arg18[%dma_start3A_45, %dma_start3A_46] : memref<10000x64xf32, #tpu.memory_space<vmem_shared>> -> memref<10000x64xf32, #tpu.memory_space<vmem_shared>>
    tpu.enqueue_indirect_dma source(%arg12 : memref<80x64xf32, #tpu.memory_space<vmem>>) target(%dma_start3A_47 : memref<10000x64xf32, #tpu.memory_space<vmem_shared>>) offsets(%dma_start3A_44 : memref<80xi32, #tpu.memory_space<vmem>>) semaphore(%arg25 : memref<!tpu.dma_semaphore, #tpu.memory_space<semaphore_mem>>) {add = true}
    %eq3A_48 = arith.constant 0 : i32
    %eq3A_49 = arith.cmpi eq, %arg0, %eq3A_48 : i32
    %convert_element_type3A_50 = arith.extui %eq3A_49 : i1 to i32
    %cond3A_51 = arith.constant 0 : i32
    %cond3A_52 = arith.cmpi ne, %convert_element_type3A_50, %cond3A_51 : i32
    scf.if %cond3A_52 {
      %dma_start3A_204 = arith.constant 0 : i32
      %dma_start3A_205 = arith.constant 0 : i32
      %dma_start3A_206 = tpu.memref_slice %arg11[%dma_start3A_204, %dma_start3A_205] : memref<250x80xi32, #tpu.memory_space<vmem>> -> memref<1x80xi32, #tpu.memory_space<vmem>>
      %dma_start3A_207 = tpu.memref_squeeze %dma_start3A_206 : memref<1x80xi32, #tpu.memory_space<vmem>> -> memref<80xi32, #tpu.memory_space<vmem>>
      %dma_start3A_208 = arith.constant 0 : i32
      %dma_start3A_209 = arith.constant 0 : i32
      %dma_start3A_210 = tpu.memref_slice %arg19[%dma_start3A_208, %dma_start3A_209] : memref<10000x8xf32, #tpu.memory_space<vmem_shared>> -> memref<10000x8xf32, #tpu.memory_space<vmem_shared>>
      tpu.enqueue_indirect_dma source(%arg17 : memref<80x8xf32, #tpu.memory_space<vmem>>) target(%dma_start3A_210 : memref<10000x8xf32, #tpu.memory_space<vmem_shared>>) offsets(%dma_start3A_207 : memref<80xi32, #tpu.memory_space<vmem>>) semaphore(%arg25 : memref<!tpu.dma_semaphore, #tpu.memory_space<semaphore_mem>>) {add = true}
    } else {
    }
    %dma_start3A_53 = arith.constant 4 : i32
    %dma_start3A_54 = arith.constant 0 : i32
    %dma_start3A_55 = tpu.memref_slice %arg10[%dma_start3A_53, %dma_start3A_54] : memref<250x80xi32, #tpu.memory_space<vmem>> -> memref<1x80xi32, #tpu.memory_space<vmem>>
    %dma_start3A_56 = tpu.memref_squeeze %dma_start3A_55 : memref<1x80xi32, #tpu.memory_space<vmem>> -> memref<80xi32, #tpu.memory_space<vmem>>
    %dma_start3A_57 = arith.constant 0 : i32
    %dma_start3A_58 = arith.constant 0 : i32
    %dma_start3A_59 = tpu.memref_slice %arg2[%dma_start3A_57, %dma_start3A_58] : memref<20000x64xf32, #tpu.memory_space<hbm>> -> memref<20000x64xf32, #tpu.memory_space<hbm>>
    tpu.enqueue_indirect_dma source(%dma_start3A_59 : memref<20000x64xf32, #tpu.memory_space<hbm>>) target(%arg16 : memref<80x64xf32, #tpu.memory_space<vmem>>) offsets(%dma_start3A_56 : memref<80xi32, #tpu.memory_space<vmem>>) semaphore(%arg24 : memref<!tpu.dma_semaphore, #tpu.memory_space<semaphore_mem>>)
    %scan3A_60 = arith.constant 0 : i32
    %scan3A_61 = arith.constant 0 : i32
    %scan3A_62 = arith.constant 49 : i32
    %scan3A_63 = arith.addi %scan3A_61, %scan3A_62 : i32
    %scan3A_64 = arith.constant 1 : i32
    scf.for %scan3A_204 = %scan3A_61 to %scan3A_63 step %scan3A_64  : i32 {
      %mul3A_205 = arith.constant 5 : i32
      %mul3A_206 = arith.muli %mul3A_205, %scan3A_204 : i32
      %add3A = arith.constant 1 : i32
      %add3A_207 = arith.addi %mul3A_206, %add3A : i32
      %add3A_208 = arith.constant 0 : i32
      %add3A_209 = arith.addi %add3A_207, %add3A_208 : i32
      %dma_wait3A_210 = arith.constant 0 : i32
      %dma_wait3A_211 = arith.constant 0 : i32
      %dma_wait3A_212 = tpu.memref_slice %arg2[%dma_wait3A_210, %dma_wait3A_211] : memref<20000x64xf32, #tpu.memory_space<hbm>> -> memref<80x64xf32, #tpu.memory_space<hbm>>
      %dma_wait3A_213 = arith.constant 0 : i32
      %dma_wait3A_214 = arith.constant 0 : i32
      %dma_wait3A_215 = tpu.memref_slice %arg2[%dma_wait3A_213, %dma_wait3A_214] : memref<20000x64xf32, #tpu.memory_space<hbm>> -> memref<80x64xf32, #tpu.memory_space<hbm>>
      tpu.wait_dma2 semaphore(%arg21 : memref<!tpu.dma_semaphore, #tpu.memory_space<semaphore_mem>>) src(%dma_wait3A_215 : memref<80x64xf32, #tpu.memory_space<hbm>>) dst(%arg13 : memref<80x64xf32, #tpu.memory_space<vmem>>)
      %dma_start3A_216 = arith.constant 0 : i32
      %dma_start3A_217 = tpu.memref_slice %arg11[%add3A_209, %dma_start3A_216] : memref<250x80xi32, #tpu.memory_space<vmem>> -> memref<1x80xi32, #tpu.memory_space<vmem>>
      %dma_start3A_218 = tpu.memref_squeeze %dma_start3A_217 : memref<1x80xi32, #tpu.memory_space<vmem>> -> memref<80xi32, #tpu.memory_space<vmem>>
      %dma_start3A_219 = arith.constant 0 : i32
      %dma_start3A_220 = arith.constant 0 : i32
      %dma_start3A_221 = tpu.memref_slice %arg18[%dma_start3A_219, %dma_start3A_220] : memref<10000x64xf32, #tpu.memory_space<vmem_shared>> -> memref<10000x64xf32, #tpu.memory_space<vmem_shared>>
      tpu.enqueue_indirect_dma source(%arg13 : memref<80x64xf32, #tpu.memory_space<vmem>>) target(%dma_start3A_221 : memref<10000x64xf32, #tpu.memory_space<vmem_shared>>) offsets(%dma_start3A_218 : memref<80xi32, #tpu.memory_space<vmem>>) semaphore(%arg26 : memref<!tpu.dma_semaphore, #tpu.memory_space<semaphore_mem>>) {add = true}
      %eq3A_222 = arith.constant 0 : i32
      %eq3A_223 = arith.cmpi eq, %arg0, %eq3A_222 : i32
      %convert_element_type3A_224 = arith.extui %eq3A_223 : i1 to i32
      %cond3A_225 = arith.constant 0 : i32
      %cond3A_226 = arith.cmpi ne, %convert_element_type3A_224, %cond3A_225 : i32
      scf.if %cond3A_226 {
        %dma_start3A_398 = arith.constant 0 : i32
        %dma_start3A_399 = tpu.memref_slice %arg11[%add3A_209, %dma_start3A_398] : memref<250x80xi32, #tpu.memory_space<vmem>> -> memref<1x80xi32, #tpu.memory_space<vmem>>
        %dma_start3A_400 = tpu.memref_squeeze %dma_start3A_399 : memref<1x80xi32, #tpu.memory_space<vmem>> -> memref<80xi32, #tpu.memory_space<vmem>>
        %dma_start3A_401 = arith.constant 0 : i32
        %dma_start3A_402 = arith.constant 0 : i32
        %dma_start3A_403 = tpu.memref_slice %arg19[%dma_start3A_401, %dma_start3A_402] : memref<10000x8xf32, #tpu.memory_space<vmem_shared>> -> memref<10000x8xf32, #tpu.memory_space<vmem_shared>>
        tpu.enqueue_indirect_dma source(%arg17 : memref<80x8xf32, #tpu.memory_space<vmem>>) target(%dma_start3A_403 : memref<10000x8xf32, #tpu.memory_space<vmem_shared>>) offsets(%dma_start3A_400 : memref<80xi32, #tpu.memory_space<vmem>>) semaphore(%arg26 : memref<!tpu.dma_semaphore, #tpu.memory_space<semaphore_mem>>) {add = true}
      } else {
      }
      %dma_wait3A_227 = arith.constant 0 : i32
      %dma_wait3A_228 = arith.constant 0 : i32
      %dma_wait3A_229 = tpu.memref_slice %arg18[%dma_wait3A_227, %dma_wait3A_228] : memref<10000x64xf32, #tpu.memory_space<vmem_shared>> -> memref<80x64xf32, #tpu.memory_space<vmem_shared>>
      %dma_wait3A_230 = arith.constant 0 : i32
      %dma_wait3A_231 = arith.constant 0 : i32
      %dma_wait3A_232 = tpu.memref_slice %arg18[%dma_wait3A_230, %dma_wait3A_231] : memref<10000x64xf32, #tpu.memory_space<vmem_shared>> -> memref<80x64xf32, #tpu.memory_space<vmem_shared>>
      tpu.wait_dma2 semaphore(%arg25 : memref<!tpu.dma_semaphore, #tpu.memory_space<semaphore_mem>>) src(%arg12 : memref<80x64xf32, #tpu.memory_space<vmem>>) dst(%dma_wait3A_232 : memref<80x64xf32, #tpu.memory_space<vmem_shared>>)
      %eq3A_233 = arith.constant 0 : i32
      %eq3A_234 = arith.cmpi eq, %arg0, %eq3A_233 : i32
      %convert_element_type3A_235 = arith.extui %eq3A_234 : i1 to i32
      %cond3A_236 = arith.constant 0 : i32
      %cond3A_237 = arith.cmpi ne, %convert_element_type3A_235, %cond3A_236 : i32
      scf.if %cond3A_237 {
        %dma_wait3A_398 = arith.constant 0 : i32
        %dma_wait3A_399 = arith.constant 0 : i32
        %dma_wait3A_400 = tpu.memref_slice %arg19[%dma_wait3A_398, %dma_wait3A_399] : memref<10000x8xf32, #tpu.memory_space<vmem_shared>> -> memref<80x8xf32, #tpu.memory_space<vmem_shared>>
        %dma_wait3A_401 = arith.constant 0 : i32
        %dma_wait3A_402 = arith.constant 0 : i32
        %dma_wait3A_403 = tpu.memref_slice %arg19[%dma_wait3A_401, %dma_wait3A_402] : memref<10000x8xf32, #tpu.memory_space<vmem_shared>> -> memref<80x8xf32, #tpu.memory_space<vmem_shared>>
        tpu.wait_dma2 semaphore(%arg25 : memref<!tpu.dma_semaphore, #tpu.memory_space<semaphore_mem>>) src(%arg17 : memref<80x8xf32, #tpu.memory_space<vmem>>) dst(%dma_wait3A_403 : memref<80x8xf32, #tpu.memory_space<vmem_shared>>)
      } else {
      }
      %add3A_238 = arith.constant 4 : i32
      %add3A_239 = arith.addi %add3A_209, %add3A_238 : i32
      %dma_start3A_240 = arith.constant 0 : i32
      %dma_start3A_241 = tpu.memref_slice %arg10[%add3A_239, %dma_start3A_240] : memref<250x80xi32, #tpu.memory_space<vmem>> -> memref<1x80xi32, #tpu.memory_space<vmem>>
      %dma_start3A_242 = tpu.memref_squeeze %dma_start3A_241 : memref<1x80xi32, #tpu.memory_space<vmem>> -> memref<80xi32, #tpu.memory_space<vmem>>
      %dma_start3A_243 = arith.constant 0 : i32
      %dma_start3A_244 = arith.constant 0 : i32
      %dma_start3A_245 = tpu.memref_slice %arg2[%dma_start3A_243, %dma_start3A_244] : memref<20000x64xf32, #tpu.memory_space<hbm>> -> memref<20000x64xf32, #tpu.memory_space<hbm>>
      tpu.enqueue_indirect_dma source(%dma_start3A_245 : memref<20000x64xf32, #tpu.memory_space<hbm>>) target(%arg12 : memref<80x64xf32, #tpu.memory_space<vmem>>) offsets(%dma_start3A_242 : memref<80xi32, #tpu.memory_space<vmem>>) semaphore(%arg20 : memref<!tpu.dma_semaphore, #tpu.memory_space<semaphore_mem>>)
      %add3A_246 = arith.constant 1 : i32
      %add3A_247 = arith.addi %add3A_207, %add3A_246 : i32
      %dma_wait3A_248 = arith.constant 0 : i32
      %dma_wait3A_249 = arith.constant 0 : i32
      %dma_wait3A_250 = tpu.memref_slice %arg2[%dma_wait3A_248, %dma_wait3A_249] : memref<20000x64xf32, #tpu.memory_space<hbm>> -> memref<80x64xf32, #tpu.memory_space<hbm>>
      %dma_wait3A_251 = arith.constant 0 : i32
      %dma_wait3A_252 = arith.constant 0 : i32
      %dma_wait3A_253 = tpu.memref_slice %arg2[%dma_wait3A_251, %dma_wait3A_252] : memref<20000x64xf32, #tpu.memory_space<hbm>> -> memref<80x64xf32, #tpu.memory_space<hbm>>
      tpu.wait_dma2 semaphore(%arg22 : memref<!tpu.dma_semaphore, #tpu.memory_space<semaphore_mem>>) src(%dma_wait3A_253 : memref<80x64xf32, #tpu.memory_space<hbm>>) dst(%arg14 : memref<80x64xf32, #tpu.memory_space<vmem>>)
      %dma_start3A_254 = arith.constant 0 : i32
      %dma_start3A_255 = tpu.memref_slice %arg11[%add3A_247, %dma_start3A_254] : memref<250x80xi32, #tpu.memory_space<vmem>> -> memref<1x80xi32, #tpu.memory_space<vmem>>
      %dma_start3A_256 = tpu.memref_squeeze %dma_start3A_255 : memref<1x80xi32, #tpu.memory_space<vmem>> -> memref<80xi32, #tpu.memory_space<vmem>>
      %dma_start3A_257 = arith.constant 0 : i32
      %dma_start3A_258 = arith.constant 0 : i32
      %dma_start3A_259 = tpu.memref_slice %arg18[%dma_start3A_257, %dma_start3A_258] : memref<10000x64xf32, #tpu.memory_space<vmem_shared>> -> memref<10000x64xf32, #tpu.memory_space<vmem_shared>>
      tpu.enqueue_indirect_dma source(%arg14 : memref<80x64xf32, #tpu.memory_space<vmem>>) target(%dma_start3A_259 : memref<10000x64xf32, #tpu.memory_space<vmem_shared>>) offsets(%dma_start3A_256 : memref<80xi32, #tpu.memory_space<vmem>>) semaphore(%arg27 : memref<!tpu.dma_semaphore, #tpu.memory_space<semaphore_mem>>) {add = true}
      %eq3A_260 = arith.constant 0 : i32
      %eq3A_261 = arith.cmpi eq, %arg0, %eq3A_260 : i32
      %convert_element_type3A_262 = arith.extui %eq3A_261 : i1 to i32
      %cond3A_263 = arith.constant 0 : i32
      %cond3A_264 = arith.cmpi ne, %convert_element_type3A_262, %cond3A_263 : i32
      scf.if %cond3A_264 {
        %dma_start3A_398 = arith.constant 0 : i32
        %dma_start3A_399 = tpu.memref_slice %arg11[%add3A_247, %dma_start3A_398] : memref<250x80xi32, #tpu.memory_space<vmem>> -> memref<1x80xi32, #tpu.memory_space<vmem>>
        %dma_start3A_400 = tpu.memref_squeeze %dma_start3A_399 : memref<1x80xi32, #tpu.memory_space<vmem>> -> memref<80xi32, #tpu.memory_space<vmem>>
        %dma_start3A_401 = arith.constant 0 : i32
        %dma_start3A_402 = arith.constant 0 : i32
        %dma_start3A_403 = tpu.memref_slice %arg19[%dma_start3A_401, %dma_start3A_402] : memref<10000x8xf32, #tpu.memory_space<vmem_shared>> -> memref<10000x8xf32, #tpu.memory_space<vmem_shared>>
        tpu.enqueue_indirect_dma source(%arg17 : memref<80x8xf32, #tpu.memory_space<vmem>>) target(%dma_start3A_403 : memref<10000x8xf32, #tpu.memory_space<vmem_shared>>) offsets(%dma_start3A_400 : memref<80xi32, #tpu.memory_space<vmem>>) semaphore(%arg27 : memref<!tpu.dma_semaphore, #tpu.memory_space<semaphore_mem>>) {add = true}
      } else {
      }
      %dma_wait3A_265 = arith.constant 0 : i32
      %dma_wait3A_266 = arith.constant 0 : i32
      %dma_wait3A_267 = tpu.memref_slice %arg18[%dma_wait3A_265, %dma_wait3A_266] : memref<10000x64xf32, #tpu.memory_space<vmem_shared>> -> memref<80x64xf32, #tpu.memory_space<vmem_shared>>
      %dma_wait3A_268 = arith.constant 0 : i32
      %dma_wait3A_269 = arith.constant 0 : i32
      %dma_wait3A_270 = tpu.memref_slice %arg18[%dma_wait3A_268, %dma_wait3A_269] : memref<10000x64xf32, #tpu.memory_space<vmem_shared>> -> memref<80x64xf32, #tpu.memory_space<vmem_shared>>
      tpu.wait_dma2 semaphore(%arg26 : memref<!tpu.dma_semaphore, #tpu.memory_space<semaphore_mem>>) src(%arg13 : memref<80x64xf32, #tpu.memory_space<vmem>>) dst(%dma_wait3A_270 : memref<80x64xf32, #tpu.memory_space<vmem_shared>>)
      %eq3A_271 = arith.constant 0 : i32
      %eq3A_272 = arith.cmpi eq, %arg0, %eq3A_271 : i32
      %convert_element_type3A_273 = arith.extui %eq3A_272 : i1 to i32
      %cond3A_274 = arith.constant 0 : i32
      %cond3A_275 = arith.cmpi ne, %convert_element_type3A_273, %cond3A_274 : i32
      scf.if %cond3A_275 {
        %dma_wait3A_398 = arith.constant 0 : i32
        %dma_wait3A_399 = arith.constant 0 : i32
        %dma_wait3A_400 = tpu.memref_slice %arg19[%dma_wait3A_398, %dma_wait3A_399] : memref<10000x8xf32, #tpu.memory_space<vmem_shared>> -> memref<80x8xf32, #tpu.memory_space<vmem_shared>>
        %dma_wait3A_401 = arith.constant 0 : i32
        %dma_wait3A_402 = arith.constant 0 : i32
        %dma_wait3A_403 = tpu.memref_slice %arg19[%dma_wait3A_401, %dma_wait3A_402] : memref<10000x8xf32, #tpu.memory_space<vmem_shared>> -> memref<80x8xf32, #tpu.memory_space<vmem_shared>>
        tpu.wait_dma2 semaphore(%arg26 : memref<!tpu.dma_semaphore, #tpu.memory_space<semaphore_mem>>) src(%arg17 : memref<80x8xf32, #tpu.memory_space<vmem>>) dst(%dma_wait3A_403 : memref<80x8xf32, #tpu.memory_space<vmem_shared>>)
      } else {
      }
      %add3A_276 = arith.constant 4 : i32
      %add3A_277 = arith.addi %add3A_247, %add3A_276 : i32
      %dma_start3A_278 = arith.constant 0 : i32
      %dma_start3A_279 = tpu.memref_slice %arg10[%add3A_277, %dma_start3A_278] : memref<250x80xi32, #tpu.memory_space<vmem>> -> memref<1x80xi32, #tpu.memory_space<vmem>>
      %dma_start3A_280 = tpu.memref_squeeze %dma_start3A_279 : memref<1x80xi32, #tpu.memory_space<vmem>> -> memref<80xi32, #tpu.memory_space<vmem>>
      %dma_start3A_281 = arith.constant 0 : i32
      %dma_start3A_282 = arith.constant 0 : i32
      %dma_start3A_283 = tpu.memref_slice %arg2[%dma_start3A_281, %dma_start3A_282] : memref<20000x64xf32, #tpu.memory_space<hbm>> -> memref<20000x64xf32, #tpu.memory_space<hbm>>
      tpu.enqueue_indirect_dma source(%dma_start3A_283 : memref<20000x64xf32, #tpu.memory_space<hbm>>) target(%arg13 : memref<80x64xf32, #tpu.memory_space<vmem>>) offsets(%dma_start3A_280 : memref<80xi32, #tpu.memory_space<vmem>>) semaphore(%arg21 : memref<!tpu.dma_semaphore, #tpu.memory_space<semaphore_mem>>)
      %add3A_284 = arith.constant 2 : i32
      %add3A_285 = arith.addi %add3A_207, %add3A_284 : i32
      %dma_wait3A_286 = arith.constant 0 : i32
      %dma_wait3A_287 = arith.constant 0 : i32
      %dma_wait3A_288 = tpu.memref_slice %arg2[%dma_wait3A_286, %dma_wait3A_287] : memref<20000x64xf32, #tpu.memory_space<hbm>> -> memref<80x64xf32, #tpu.memory_space<hbm>>
      %dma_wait3A_289 = arith.constant 0 : i32
      %dma_wait3A_290 = arith.constant 0 : i32
      %dma_wait3A_291 = tpu.memref_slice %arg2[%dma_wait3A_289, %dma_wait3A_290] : memref<20000x64xf32, #tpu.memory_space<hbm>> -> memref<80x64xf32, #tpu.memory_space<hbm>>
      tpu.wait_dma2 semaphore(%arg23 : memref<!tpu.dma_semaphore, #tpu.memory_space<semaphore_mem>>) src(%dma_wait3A_291 : memref<80x64xf32, #tpu.memory_space<hbm>>) dst(%arg15 : memref<80x64xf32, #tpu.memory_space<vmem>>)
      %dma_start3A_292 = arith.constant 0 : i32
      %dma_start3A_293 = tpu.memref_slice %arg11[%add3A_285, %dma_start3A_292] : memref<250x80xi32, #tpu.memory_space<vmem>> -> memref<1x80xi32, #tpu.memory_space<vmem>>
      %dma_start3A_294 = tpu.memref_squeeze %dma_start3A_293 : memref<1x80xi32, #tpu.memory_space<vmem>> -> memref<80xi32, #tpu.memory_space<vmem>>
      %dma_start3A_295 = arith.constant 0 : i32
      %dma_start3A_296 = arith.constant 0 : i32
      %dma_start3A_297 = tpu.memref_slice %arg18[%dma_start3A_295, %dma_start3A_296] : memref<10000x64xf32, #tpu.memory_space<vmem_shared>> -> memref<10000x64xf32, #tpu.memory_space<vmem_shared>>
      tpu.enqueue_indirect_dma source(%arg15 : memref<80x64xf32, #tpu.memory_space<vmem>>) target(%dma_start3A_297 : memref<10000x64xf32, #tpu.memory_space<vmem_shared>>) offsets(%dma_start3A_294 : memref<80xi32, #tpu.memory_space<vmem>>) semaphore(%arg28 : memref<!tpu.dma_semaphore, #tpu.memory_space<semaphore_mem>>) {add = true}
      %eq3A_298 = arith.constant 0 : i32
      %eq3A_299 = arith.cmpi eq, %arg0, %eq3A_298 : i32
      %convert_element_type3A_300 = arith.extui %eq3A_299 : i1 to i32
      %cond3A_301 = arith.constant 0 : i32
      %cond3A_302 = arith.cmpi ne, %convert_element_type3A_300, %cond3A_301 : i32
      scf.if %cond3A_302 {
        %dma_start3A_398 = arith.constant 0 : i32
        %dma_start3A_399 = tpu.memref_slice %arg11[%add3A_285, %dma_start3A_398] : memref<250x80xi32, #tpu.memory_space<vmem>> -> memref<1x80xi32, #tpu.memory_space<vmem>>
        %dma_start3A_400 = tpu.memref_squeeze %dma_start3A_399 : memref<1x80xi32, #tpu.memory_space<vmem>> -> memref<80xi32, #tpu.memory_space<vmem>>
        %dma_start3A_401 = arith.constant 0 : i32
        %dma_start3A_402 = arith.constant 0 : i32
        %dma_start3A_403 = tpu.memref_slice %arg19[%dma_start3A_401, %dma_start3A_402] : memref<10000x8xf32, #tpu.memory_space<vmem_shared>> -> memref<10000x8xf32, #tpu.memory_space<vmem_shared>>
        tpu.enqueue_indirect_dma source(%arg17 : memref<80x8xf32, #tpu.memory_space<vmem>>) target(%dma_start3A_403 : memref<10000x8xf32, #tpu.memory_space<vmem_shared>>) offsets(%dma_start3A_400 : memref<80xi32, #tpu.memory_space<vmem>>) semaphore(%arg28 : memref<!tpu.dma_semaphore, #tpu.memory_space<semaphore_mem>>) {add = true}
      } else {
      }
      %dma_wait3A_303 = arith.constant 0 : i32
      %dma_wait3A_304 = arith.constant 0 : i32
      %dma_wait3A_305 = tpu.memref_slice %arg18[%dma_wait3A_303, %dma_wait3A_304] : memref<10000x64xf32, #tpu.memory_space<vmem_shared>> -> memref<80x64xf32, #tpu.memory_space<vmem_shared>>
      %dma_wait3A_306 = arith.constant 0 : i32
      %dma_wait3A_307 = arith.constant 0 : i32
      %dma_wait3A_308 = tpu.memref_slice %arg18[%dma_wait3A_306, %dma_wait3A_307] : memref<10000x64xf32, #tpu.memory_space<vmem_shared>> -> memref<80x64xf32, #tpu.memory_space<vmem_shared>>
      tpu.wait_dma2 semaphore(%arg27 : memref<!tpu.dma_semaphore, #tpu.memory_space<semaphore_mem>>) src(%arg14 : memref<80x64xf32, #tpu.memory_space<vmem>>) dst(%dma_wait3A_308 : memref<80x64xf32, #tpu.memory_space<vmem_shared>>)
      %eq3A_309 = arith.constant 0 : i32
      %eq3A_310 = arith.cmpi eq, %arg0, %eq3A_309 : i32
      %convert_element_type3A_311 = arith.extui %eq3A_310 : i1 to i32
      %cond3A_312 = arith.constant 0 : i32
      %cond3A_313 = arith.cmpi ne, %convert_element_type3A_311, %cond3A_312 : i32
      scf.if %cond3A_313 {
        %dma_wait3A_398 = arith.constant 0 : i32
        %dma_wait3A_399 = arith.constant 0 : i32
        %dma_wait3A_400 = tpu.memref_slice %arg19[%dma_wait3A_398, %dma_wait3A_399] : memref<10000x8xf32, #tpu.memory_space<vmem_shared>> -> memref<80x8xf32, #tpu.memory_space<vmem_shared>>
        %dma_wait3A_401 = arith.constant 0 : i32
        %dma_wait3A_402 = arith.constant 0 : i32
        %dma_wait3A_403 = tpu.memref_slice %arg19[%dma_wait3A_401, %dma_wait3A_402] : memref<10000x8xf32, #tpu.memory_space<vmem_shared>> -> memref<80x8xf32, #tpu.memory_space<vmem_shared>>
        tpu.wait_dma2 semaphore(%arg27 : memref<!tpu.dma_semaphore, #tpu.memory_space<semaphore_mem>>) src(%arg17 : memref<80x8xf32, #tpu.memory_space<vmem>>) dst(%dma_wait3A_403 : memref<80x8xf32, #tpu.memory_space<vmem_shared>>)
      } else {
      }
      %add3A_314 = arith.constant 4 : i32
      %add3A_315 = arith.addi %add3A_285, %add3A_314 : i32
      %dma_start3A_316 = arith.constant 0 : i32
      %dma_start3A_317 = tpu.memref_slice %arg10[%add3A_315, %dma_start3A_316] : memref<250x80xi32, #tpu.memory_space<vmem>> -> memref<1x80xi32, #tpu.memory_space<vmem>>
      %dma_start3A_318 = tpu.memref_squeeze %dma_start3A_317 : memref<1x80xi32, #tpu.memory_space<vmem>> -> memref<80xi32, #tpu.memory_space<vmem>>
      %dma_start3A_319 = arith.constant 0 : i32
      %dma_start3A_320 = arith.constant 0 : i32
      %dma_start3A_321 = tpu.memref_slice %arg2[%dma_start3A_319, %dma_start3A_320] : memref<20000x64xf32, #tpu.memory_space<hbm>> -> memref<20000x64xf32, #tpu.memory_space<hbm>>
      tpu.enqueue_indirect_dma source(%dma_start3A_321 : memref<20000x64xf32, #tpu.memory_space<hbm>>) target(%arg14 : memref<80x64xf32, #tpu.memory_space<vmem>>) offsets(%dma_start3A_318 : memref<80xi32, #tpu.memory_space<vmem>>) semaphore(%arg22 : memref<!tpu.dma_semaphore, #tpu.memory_space<semaphore_mem>>)
      %add3A_322 = arith.constant 3 : i32
      %add3A_323 = arith.addi %add3A_207, %add3A_322 : i32
      %dma_wait3A_324 = arith.constant 0 : i32
      %dma_wait3A_325 = arith.constant 0 : i32
      %dma_wait3A_326 = tpu.memref_slice %arg2[%dma_wait3A_324, %dma_wait3A_325] : memref<20000x64xf32, #tpu.memory_space<hbm>> -> memref<80x64xf32, #tpu.memory_space<hbm>>
      %dma_wait3A_327 = arith.constant 0 : i32
      %dma_wait3A_328 = arith.constant 0 : i32
      %dma_wait3A_329 = tpu.memref_slice %arg2[%dma_wait3A_327, %dma_wait3A_328] : memref<20000x64xf32, #tpu.memory_space<hbm>> -> memref<80x64xf32, #tpu.memory_space<hbm>>
      tpu.wait_dma2 semaphore(%arg24 : memref<!tpu.dma_semaphore, #tpu.memory_space<semaphore_mem>>) src(%dma_wait3A_329 : memref<80x64xf32, #tpu.memory_space<hbm>>) dst(%arg16 : memref<80x64xf32, #tpu.memory_space<vmem>>)
      %dma_start3A_330 = arith.constant 0 : i32
      %dma_start3A_331 = tpu.memref_slice %arg11[%add3A_323, %dma_start3A_330] : memref<250x80xi32, #tpu.memory_space<vmem>> -> memref<1x80xi32, #tpu.memory_space<vmem>>
      %dma_start3A_332 = tpu.memref_squeeze %dma_start3A_331 : memref<1x80xi32, #tpu.memory_space<vmem>> -> memref<80xi32, #tpu.memory_space<vmem>>
      %dma_start3A_333 = arith.constant 0 : i32
      %dma_start3A_334 = arith.constant 0 : i32
      %dma_start3A_335 = tpu.memref_slice %arg18[%dma_start3A_333, %dma_start3A_334] : memref<10000x64xf32, #tpu.memory_space<vmem_shared>> -> memref<10000x64xf32, #tpu.memory_space<vmem_shared>>
      tpu.enqueue_indirect_dma source(%arg16 : memref<80x64xf32, #tpu.memory_space<vmem>>) target(%dma_start3A_335 : memref<10000x64xf32, #tpu.memory_space<vmem_shared>>) offsets(%dma_start3A_332 : memref<80xi32, #tpu.memory_space<vmem>>) semaphore(%arg29 : memref<!tpu.dma_semaphore, #tpu.memory_space<semaphore_mem>>) {add = true}
      %eq3A_336 = arith.constant 0 : i32
      %eq3A_337 = arith.cmpi eq, %arg0, %eq3A_336 : i32
      %convert_element_type3A_338 = arith.extui %eq3A_337 : i1 to i32
      %cond3A_339 = arith.constant 0 : i32
      %cond3A_340 = arith.cmpi ne, %convert_element_type3A_338, %cond3A_339 : i32
      scf.if %cond3A_340 {
        %dma_start3A_398 = arith.constant 0 : i32
        %dma_start3A_399 = tpu.memref_slice %arg11[%add3A_323, %dma_start3A_398] : memref<250x80xi32, #tpu.memory_space<vmem>> -> memref<1x80xi32, #tpu.memory_space<vmem>>
        %dma_start3A_400 = tpu.memref_squeeze %dma_start3A_399 : memref<1x80xi32, #tpu.memory_space<vmem>> -> memref<80xi32, #tpu.memory_space<vmem>>
        %dma_start3A_401 = arith.constant 0 : i32
        %dma_start3A_402 = arith.constant 0 : i32
        %dma_start3A_403 = tpu.memref_slice %arg19[%dma_start3A_401, %dma_start3A_402] : memref<10000x8xf32, #tpu.memory_space<vmem_shared>> -> memref<10000x8xf32, #tpu.memory_space<vmem_shared>>
        tpu.enqueue_indirect_dma source(%arg17 : memref<80x8xf32, #tpu.memory_space<vmem>>) target(%dma_start3A_403 : memref<10000x8xf32, #tpu.memory_space<vmem_shared>>) offsets(%dma_start3A_400 : memref<80xi32, #tpu.memory_space<vmem>>) semaphore(%arg29 : memref<!tpu.dma_semaphore, #tpu.memory_space<semaphore_mem>>) {add = true}
      } else {
      }
      %dma_wait3A_341 = arith.constant 0 : i32
      %dma_wait3A_342 = arith.constant 0 : i32
      %dma_wait3A_343 = tpu.memref_slice %arg18[%dma_wait3A_341, %dma_wait3A_342] : memref<10000x64xf32, #tpu.memory_space<vmem_shared>> -> memref<80x64xf32, #tpu.memory_space<vmem_shared>>
      %dma_wait3A_344 = arith.constant 0 : i32
      %dma_wait3A_345 = arith.constant 0 : i32
      %dma_wait3A_346 = tpu.memref_slice %arg18[%dma_wait3A_344, %dma_wait3A_345] : memref<10000x64xf32, #tpu.memory_space<vmem_shared>> -> memref<80x64xf32, #tpu.memory_space<vmem_shared>>
      tpu.wait_dma2 semaphore(%arg28 : memref<!tpu.dma_semaphore, #tpu.memory_space<semaphore_mem>>) src(%arg15 : memref<80x64xf32, #tpu.memory_space<vmem>>) dst(%dma_wait3A_346 : memref<80x64xf32, #tpu.memory_space<vmem_shared>>)
      %eq3A_347 = arith.constant 0 : i32
      %eq3A_348 = arith.cmpi eq, %arg0, %eq3A_347 : i32
      %convert_element_type3A_349 = arith.extui %eq3A_348 : i1 to i32
      %cond3A_350 = arith.constant 0 : i32
      %cond3A_351 = arith.cmpi ne, %convert_element_type3A_349, %cond3A_350 : i32
      scf.if %cond3A_351 {
        %dma_wait3A_398 = arith.constant 0 : i32
        %dma_wait3A_399 = arith.constant 0 : i32
        %dma_wait3A_400 = tpu.memref_slice %arg19[%dma_wait3A_398, %dma_wait3A_399] : memref<10000x8xf32, #tpu.memory_space<vmem_shared>> -> memref<80x8xf32, #tpu.memory_space<vmem_shared>>
        %dma_wait3A_401 = arith.constant 0 : i32
        %dma_wait3A_402 = arith.constant 0 : i32
        %dma_wait3A_403 = tpu.memref_slice %arg19[%dma_wait3A_401, %dma_wait3A_402] : memref<10000x8xf32, #tpu.memory_space<vmem_shared>> -> memref<80x8xf32, #tpu.memory_space<vmem_shared>>
        tpu.wait_dma2 semaphore(%arg28 : memref<!tpu.dma_semaphore, #tpu.memory_space<semaphore_mem>>) src(%arg17 : memref<80x8xf32, #tpu.memory_space<vmem>>) dst(%dma_wait3A_403 : memref<80x8xf32, #tpu.memory_space<vmem_shared>>)
      } else {
      }
      %add3A_352 = arith.constant 4 : i32
      %add3A_353 = arith.addi %add3A_323, %add3A_352 : i32
      %dma_start3A_354 = arith.constant 0 : i32
      %dma_start3A_355 = tpu.memref_slice %arg10[%add3A_353, %dma_start3A_354] : memref<250x80xi32, #tpu.memory_space<vmem>> -> memref<1x80xi32, #tpu.memory_space<vmem>>
      %dma_start3A_356 = tpu.memref_squeeze %dma_start3A_355 : memref<1x80xi32, #tpu.memory_space<vmem>> -> memref<80xi32, #tpu.memory_space<vmem>>
      %dma_start3A_357 = arith.constant 0 : i32
      %dma_start3A_358 = arith.constant 0 : i32
      %dma_start3A_359 = tpu.memref_slice %arg2[%dma_start3A_357, %dma_start3A_358] : memref<20000x64xf32, #tpu.memory_space<hbm>> -> memref<20000x64xf32, #tpu.memory_space<hbm>>
      tpu.enqueue_indirect_dma source(%dma_start3A_359 : memref<20000x64xf32, #tpu.memory_space<hbm>>) target(%arg15 : memref<80x64xf32, #tpu.memory_space<vmem>>) offsets(%dma_start3A_356 : memref<80xi32, #tpu.memory_space<vmem>>) semaphore(%arg23 : memref<!tpu.dma_semaphore, #tpu.memory_space<semaphore_mem>>)
      %add3A_360 = arith.constant 4 : i32
      %add3A_361 = arith.addi %add3A_207, %add3A_360 : i32
      %dma_wait3A_362 = arith.constant 0 : i32
      %dma_wait3A_363 = arith.constant 0 : i32
      %dma_wait3A_364 = tpu.memref_slice %arg2[%dma_wait3A_362, %dma_wait3A_363] : memref<20000x64xf32, #tpu.memory_space<hbm>> -> memref<80x64xf32, #tpu.memory_space<hbm>>
      %dma_wait3A_365 = arith.constant 0 : i32
      %dma_wait3A_366 = arith.constant 0 : i32
      %dma_wait3A_367 = tpu.memref_slice %arg2[%dma_wait3A_365, %dma_wait3A_366] : memref<20000x64xf32, #tpu.memory_space<hbm>> -> memref<80x64xf32, #tpu.memory_space<hbm>>
      tpu.wait_dma2 semaphore(%arg20 : memref<!tpu.dma_semaphore, #tpu.memory_space<semaphore_mem>>) src(%dma_wait3A_367 : memref<80x64xf32, #tpu.memory_space<hbm>>) dst(%arg12 : memref<80x64xf32, #tpu.memory_space<vmem>>)
      %dma_start3A_368 = arith.constant 0 : i32
      %dma_start3A_369 = tpu.memref_slice %arg11[%add3A_361, %dma_start3A_368] : memref<250x80xi32, #tpu.memory_space<vmem>> -> memref<1x80xi32, #tpu.memory_space<vmem>>
      %dma_start3A_370 = tpu.memref_squeeze %dma_start3A_369 : memref<1x80xi32, #tpu.memory_space<vmem>> -> memref<80xi32, #tpu.memory_space<vmem>>
      %dma_start3A_371 = arith.constant 0 : i32
      %dma_start3A_372 = arith.constant 0 : i32
      %dma_start3A_373 = tpu.memref_slice %arg18[%dma_start3A_371, %dma_start3A_372] : memref<10000x64xf32, #tpu.memory_space<vmem_shared>> -> memref<10000x64xf32, #tpu.memory_space<vmem_shared>>
      tpu.enqueue_indirect_dma source(%arg12 : memref<80x64xf32, #tpu.memory_space<vmem>>) target(%dma_start3A_373 : memref<10000x64xf32, #tpu.memory_space<vmem_shared>>) offsets(%dma_start3A_370 : memref<80xi32, #tpu.memory_space<vmem>>) semaphore(%arg25 : memref<!tpu.dma_semaphore, #tpu.memory_space<semaphore_mem>>) {add = true}
      %eq3A_374 = arith.constant 0 : i32
      %eq3A_375 = arith.cmpi eq, %arg0, %eq3A_374 : i32
      %convert_element_type3A_376 = arith.extui %eq3A_375 : i1 to i32
      %cond3A_377 = arith.constant 0 : i32
      %cond3A_378 = arith.cmpi ne, %convert_element_type3A_376, %cond3A_377 : i32
      scf.if %cond3A_378 {
        %dma_start3A_398 = arith.constant 0 : i32
        %dma_start3A_399 = tpu.memref_slice %arg11[%add3A_361, %dma_start3A_398] : memref<250x80xi32, #tpu.memory_space<vmem>> -> memref<1x80xi32, #tpu.memory_space<vmem>>
        %dma_start3A_400 = tpu.memref_squeeze %dma_start3A_399 : memref<1x80xi32, #tpu.memory_space<vmem>> -> memref<80xi32, #tpu.memory_space<vmem>>
        %dma_start3A_401 = arith.constant 0 : i32
        %dma_start3A_402 = arith.constant 0 : i32
        %dma_start3A_403 = tpu.memref_slice %arg19[%dma_start3A_401, %dma_start3A_402] : memref<10000x8xf32, #tpu.memory_space<vmem_shared>> -> memref<10000x8xf32, #tpu.memory_space<vmem_shared>>
        tpu.enqueue_indirect_dma source(%arg17 : memref<80x8xf32, #tpu.memory_space<vmem>>) target(%dma_start3A_403 : memref<10000x8xf32, #tpu.memory_space<vmem_shared>>) offsets(%dma_start3A_400 : memref<80xi32, #tpu.memory_space<vmem>>) semaphore(%arg25 : memref<!tpu.dma_semaphore, #tpu.memory_space<semaphore_mem>>) {add = true}
      } else {
      }
      %dma_wait3A_379 = arith.constant 0 : i32
      %dma_wait3A_380 = arith.constant 0 : i32
      %dma_wait3A_381 = tpu.memref_slice %arg18[%dma_wait3A_379, %dma_wait3A_380] : memref<10000x64xf32, #tpu.memory_space<vmem_shared>> -> memref<80x64xf32, #tpu.memory_space<vmem_shared>>
      %dma_wait3A_382 = arith.constant 0 : i32
      %dma_wait3A_383 = arith.constant 0 : i32
      %dma_wait3A_384 = tpu.memref_slice %arg18[%dma_wait3A_382, %dma_wait3A_383] : memref<10000x64xf32, #tpu.memory_space<vmem_shared>> -> memref<80x64xf32, #tpu.memory_space<vmem_shared>>
      tpu.wait_dma2 semaphore(%arg29 : memref<!tpu.dma_semaphore, #tpu.memory_space<semaphore_mem>>) src(%arg16 : memref<80x64xf32, #tpu.memory_space<vmem>>) dst(%dma_wait3A_384 : memref<80x64xf32, #tpu.memory_space<vmem_shared>>)
      %eq3A_385 = arith.constant 0 : i32
      %eq3A_386 = arith.cmpi eq, %arg0, %eq3A_385 : i32
      %convert_element_type3A_387 = arith.extui %eq3A_386 : i1 to i32
      %cond3A_388 = arith.constant 0 : i32
      %cond3A_389 = arith.cmpi ne, %convert_element_type3A_387, %cond3A_388 : i32
      scf.if %cond3A_389 {
        %dma_wait3A_398 = arith.constant 0 : i32
        %dma_wait3A_399 = arith.constant 0 : i32
        %dma_wait3A_400 = tpu.memref_slice %arg19[%dma_wait3A_398, %dma_wait3A_399] : memref<10000x8xf32, #tpu.memory_space<vmem_shared>> -> memref<80x8xf32, #tpu.memory_space<vmem_shared>>
        %dma_wait3A_401 = arith.constant 0 : i32
        %dma_wait3A_402 = arith.constant 0 : i32
        %dma_wait3A_403 = tpu.memref_slice %arg19[%dma_wait3A_401, %dma_wait3A_402] : memref<10000x8xf32, #tpu.memory_space<vmem_shared>> -> memref<80x8xf32, #tpu.memory_space<vmem_shared>>
        tpu.wait_dma2 semaphore(%arg29 : memref<!tpu.dma_semaphore, #tpu.memory_space<semaphore_mem>>) src(%arg17 : memref<80x8xf32, #tpu.memory_space<vmem>>) dst(%dma_wait3A_403 : memref<80x8xf32, #tpu.memory_space<vmem_shared>>)
      } else {
      }
      %add3A_390 = arith.constant 4 : i32
      %add3A_391 = arith.addi %add3A_361, %add3A_390 : i32
      %dma_start3A_392 = arith.constant 0 : i32
      %dma_start3A_393 = tpu.memref_slice %arg10[%add3A_391, %dma_start3A_392] : memref<250x80xi32, #tpu.memory_space<vmem>> -> memref<1x80xi32, #tpu.memory_space<vmem>>
      %dma_start3A_394 = tpu.memref_squeeze %dma_start3A_393 : memref<1x80xi32, #tpu.memory_space<vmem>> -> memref<80xi32, #tpu.memory_space<vmem>>
      %dma_start3A_395 = arith.constant 0 : i32
      %dma_start3A_396 = arith.constant 0 : i32
      %dma_start3A_397 = tpu.memref_slice %arg2[%dma_start3A_395, %dma_start3A_396] : memref<20000x64xf32, #tpu.memory_space<hbm>> -> memref<20000x64xf32, #tpu.memory_space<hbm>>
      tpu.enqueue_indirect_dma source(%dma_start3A_397 : memref<20000x64xf32, #tpu.memory_space<hbm>>) target(%arg16 : memref<80x64xf32, #tpu.memory_space<vmem>>) offsets(%dma_start3A_394 : memref<80xi32, #tpu.memory_space<vmem>>) semaphore(%arg24 : memref<!tpu.dma_semaphore, #tpu.memory_space<semaphore_mem>>)
    }
    %scan3A_65 = arith.constant 49 : i32
    %dma_wait3A_66 = arith.constant 0 : i32
    %dma_wait3A_67 = arith.constant 0 : i32
    %dma_wait3A_68 = tpu.memref_slice %arg2[%dma_wait3A_66, %dma_wait3A_67] : memref<20000x64xf32, #tpu.memory_space<hbm>> -> memref<80x64xf32, #tpu.memory_space<hbm>>
    %dma_wait3A_69 = arith.constant 0 : i32
    %dma_wait3A_70 = arith.constant 0 : i32
    %dma_wait3A_71 = tpu.memref_slice %arg2[%dma_wait3A_69, %dma_wait3A_70] : memref<20000x64xf32, #tpu.memory_space<hbm>> -> memref<80x64xf32, #tpu.memory_space<hbm>>
    tpu.wait_dma2 semaphore(%arg21 : memref<!tpu.dma_semaphore, #tpu.memory_space<semaphore_mem>>) src(%dma_wait3A_71 : memref<80x64xf32, #tpu.memory_space<hbm>>) dst(%arg13 : memref<80x64xf32, #tpu.memory_space<vmem>>)
    %dma_start3A_72 = arith.constant 246 : i32
    %dma_start3A_73 = arith.constant 0 : i32
    %dma_start3A_74 = tpu.memref_slice %arg11[%dma_start3A_72, %dma_start3A_73] : memref<250x80xi32, #tpu.memory_space<vmem>> -> memref<1x80xi32, #tpu.memory_space<vmem>>
    %dma_start3A_75 = tpu.memref_squeeze %dma_start3A_74 : memref<1x80xi32, #tpu.memory_space<vmem>> -> memref<80xi32, #tpu.memory_space<vmem>>
    %dma_start3A_76 = arith.constant 0 : i32
    %dma_start3A_77 = arith.constant 0 : i32
    %dma_start3A_78 = tpu.memref_slice %arg18[%dma_start3A_76, %dma_start3A_77] : memref<10000x64xf32, #tpu.memory_space<vmem_shared>> -> memref<10000x64xf32, #tpu.memory_space<vmem_shared>>
    tpu.enqueue_indirect_dma source(%arg13 : memref<80x64xf32, #tpu.memory_space<vmem>>) target(%dma_start3A_78 : memref<10000x64xf32, #tpu.memory_space<vmem_shared>>) offsets(%dma_start3A_75 : memref<80xi32, #tpu.memory_space<vmem>>) semaphore(%arg26 : memref<!tpu.dma_semaphore, #tpu.memory_space<semaphore_mem>>) {add = true}
    %eq3A_79 = arith.constant 0 : i32
    %eq3A_80 = arith.cmpi eq, %arg0, %eq3A_79 : i32
    %convert_element_type3A_81 = arith.extui %eq3A_80 : i1 to i32
    %cond3A_82 = arith.constant 0 : i32
    %cond3A_83 = arith.cmpi ne, %convert_element_type3A_81, %cond3A_82 : i32
    scf.if %cond3A_83 {
      %dma_start3A_204 = arith.constant 246 : i32
      %dma_start3A_205 = arith.constant 0 : i32
      %dma_start3A_206 = tpu.memref_slice %arg11[%dma_start3A_204, %dma_start3A_205] : memref<250x80xi32, #tpu.memory_space<vmem>> -> memref<1x80xi32, #tpu.memory_space<vmem>>
      %dma_start3A_207 = tpu.memref_squeeze %dma_start3A_206 : memref<1x80xi32, #tpu.memory_space<vmem>> -> memref<80xi32, #tpu.memory_space<vmem>>
      %dma_start3A_208 = arith.constant 0 : i32
      %dma_start3A_209 = arith.constant 0 : i32
      %dma_start3A_210 = tpu.memref_slice %arg19[%dma_start3A_208, %dma_start3A_209] : memref<10000x8xf32, #tpu.memory_space<vmem_shared>> -> memref<10000x8xf32, #tpu.memory_space<vmem_shared>>
      tpu.enqueue_indirect_dma source(%arg17 : memref<80x8xf32, #tpu.memory_space<vmem>>) target(%dma_start3A_210 : memref<10000x8xf32, #tpu.memory_space<vmem_shared>>) offsets(%dma_start3A_207 : memref<80xi32, #tpu.memory_space<vmem>>) semaphore(%arg26 : memref<!tpu.dma_semaphore, #tpu.memory_space<semaphore_mem>>) {add = true}
    } else {
    }
    %dma_wait3A_84 = arith.constant 0 : i32
    %dma_wait3A_85 = arith.constant 0 : i32
    %dma_wait3A_86 = tpu.memref_slice %arg2[%dma_wait3A_84, %dma_wait3A_85] : memref<20000x64xf32, #tpu.memory_space<hbm>> -> memref<80x64xf32, #tpu.memory_space<hbm>>
    %dma_wait3A_87 = arith.constant 0 : i32
    %dma_wait3A_88 = arith.constant 0 : i32
    %dma_wait3A_89 = tpu.memref_slice %arg2[%dma_wait3A_87, %dma_wait3A_88] : memref<20000x64xf32, #tpu.memory_space<hbm>> -> memref<80x64xf32, #tpu.memory_space<hbm>>
    tpu.wait_dma2 semaphore(%arg22 : memref<!tpu.dma_semaphore, #tpu.memory_space<semaphore_mem>>) src(%dma_wait3A_89 : memref<80x64xf32, #tpu.memory_space<hbm>>) dst(%arg14 : memref<80x64xf32, #tpu.memory_space<vmem>>)
    %dma_start3A_90 = arith.constant 247 : i32
    %dma_start3A_91 = arith.constant 0 : i32
    %dma_start3A_92 = tpu.memref_slice %arg11[%dma_start3A_90, %dma_start3A_91] : memref<250x80xi32, #tpu.memory_space<vmem>> -> memref<1x80xi32, #tpu.memory_space<vmem>>
    %dma_start3A_93 = tpu.memref_squeeze %dma_start3A_92 : memref<1x80xi32, #tpu.memory_space<vmem>> -> memref<80xi32, #tpu.memory_space<vmem>>
    %dma_start3A_94 = arith.constant 0 : i32
    %dma_start3A_95 = arith.constant 0 : i32
    %dma_start3A_96 = tpu.memref_slice %arg18[%dma_start3A_94, %dma_start3A_95] : memref<10000x64xf32, #tpu.memory_space<vmem_shared>> -> memref<10000x64xf32, #tpu.memory_space<vmem_shared>>
    tpu.enqueue_indirect_dma source(%arg14 : memref<80x64xf32, #tpu.memory_space<vmem>>) target(%dma_start3A_96 : memref<10000x64xf32, #tpu.memory_space<vmem_shared>>) offsets(%dma_start3A_93 : memref<80xi32, #tpu.memory_space<vmem>>) semaphore(%arg27 : memref<!tpu.dma_semaphore, #tpu.memory_space<semaphore_mem>>) {add = true}
    %eq3A_97 = arith.constant 0 : i32
    %eq3A_98 = arith.cmpi eq, %arg0, %eq3A_97 : i32
    %convert_element_type3A_99 = arith.extui %eq3A_98 : i1 to i32
    %cond3A_100 = arith.constant 0 : i32
    %cond3A_101 = arith.cmpi ne, %convert_element_type3A_99, %cond3A_100 : i32
    scf.if %cond3A_101 {
      %dma_start3A_204 = arith.constant 247 : i32
      %dma_start3A_205 = arith.constant 0 : i32
      %dma_start3A_206 = tpu.memref_slice %arg11[%dma_start3A_204, %dma_start3A_205] : memref<250x80xi32, #tpu.memory_space<vmem>> -> memref<1x80xi32, #tpu.memory_space<vmem>>
      %dma_start3A_207 = tpu.memref_squeeze %dma_start3A_206 : memref<1x80xi32, #tpu.memory_space<vmem>> -> memref<80xi32, #tpu.memory_space<vmem>>
      %dma_start3A_208 = arith.constant 0 : i32
      %dma_start3A_209 = arith.constant 0 : i32
      %dma_start3A_210 = tpu.memref_slice %arg19[%dma_start3A_208, %dma_start3A_209] : memref<10000x8xf32, #tpu.memory_space<vmem_shared>> -> memref<10000x8xf32, #tpu.memory_space<vmem_shared>>
      tpu.enqueue_indirect_dma source(%arg17 : memref<80x8xf32, #tpu.memory_space<vmem>>) target(%dma_start3A_210 : memref<10000x8xf32, #tpu.memory_space<vmem_shared>>) offsets(%dma_start3A_207 : memref<80xi32, #tpu.memory_space<vmem>>) semaphore(%arg27 : memref<!tpu.dma_semaphore, #tpu.memory_space<semaphore_mem>>) {add = true}
    } else {
    }
    %dma_wait3A_102 = arith.constant 0 : i32
    %dma_wait3A_103 = arith.constant 0 : i32
    %dma_wait3A_104 = tpu.memref_slice %arg2[%dma_wait3A_102, %dma_wait3A_103] : memref<20000x64xf32, #tpu.memory_space<hbm>> -> memref<80x64xf32, #tpu.memory_space<hbm>>
    %dma_wait3A_105 = arith.constant 0 : i32
    %dma_wait3A_106 = arith.constant 0 : i32
    %dma_wait3A_107 = tpu.memref_slice %arg2[%dma_wait3A_105, %dma_wait3A_106] : memref<20000x64xf32, #tpu.memory_space<hbm>> -> memref<80x64xf32, #tpu.memory_space<hbm>>
    tpu.wait_dma2 semaphore(%arg23 : memref<!tpu.dma_semaphore, #tpu.memory_space<semaphore_mem>>) src(%dma_wait3A_107 : memref<80x64xf32, #tpu.memory_space<hbm>>) dst(%arg15 : memref<80x64xf32, #tpu.memory_space<vmem>>)
    %dma_start3A_108 = arith.constant 248 : i32
    %dma_start3A_109 = arith.constant 0 : i32
    %dma_start3A_110 = tpu.memref_slice %arg11[%dma_start3A_108, %dma_start3A_109] : memref<250x80xi32, #tpu.memory_space<vmem>> -> memref<1x80xi32, #tpu.memory_space<vmem>>
    %dma_start3A_111 = tpu.memref_squeeze %dma_start3A_110 : memref<1x80xi32, #tpu.memory_space<vmem>> -> memref<80xi32, #tpu.memory_space<vmem>>
    %dma_start3A_112 = arith.constant 0 : i32
    %dma_start3A_113 = arith.constant 0 : i32
    %dma_start3A_114 = tpu.memref_slice %arg18[%dma_start3A_112, %dma_start3A_113] : memref<10000x64xf32, #tpu.memory_space<vmem_shared>> -> memref<10000x64xf32, #tpu.memory_space<vmem_shared>>
    tpu.enqueue_indirect_dma source(%arg15 : memref<80x64xf32, #tpu.memory_space<vmem>>) target(%dma_start3A_114 : memref<10000x64xf32, #tpu.memory_space<vmem_shared>>) offsets(%dma_start3A_111 : memref<80xi32, #tpu.memory_space<vmem>>) semaphore(%arg28 : memref<!tpu.dma_semaphore, #tpu.memory_space<semaphore_mem>>) {add = true}
    %eq3A_115 = arith.constant 0 : i32
    %eq3A_116 = arith.cmpi eq, %arg0, %eq3A_115 : i32
    %convert_element_type3A_117 = arith.extui %eq3A_116 : i1 to i32
    %cond3A_118 = arith.constant 0 : i32
    %cond3A_119 = arith.cmpi ne, %convert_element_type3A_117, %cond3A_118 : i32
    scf.if %cond3A_119 {
      %dma_start3A_204 = arith.constant 248 : i32
      %dma_start3A_205 = arith.constant 0 : i32
      %dma_start3A_206 = tpu.memref_slice %arg11[%dma_start3A_204, %dma_start3A_205] : memref<250x80xi32, #tpu.memory_space<vmem>> -> memref<1x80xi32, #tpu.memory_space<vmem>>
      %dma_start3A_207 = tpu.memref_squeeze %dma_start3A_206 : memref<1x80xi32, #tpu.memory_space<vmem>> -> memref<80xi32, #tpu.memory_space<vmem>>
      %dma_start3A_208 = arith.constant 0 : i32
      %dma_start3A_209 = arith.constant 0 : i32
      %dma_start3A_210 = tpu.memref_slice %arg19[%dma_start3A_208, %dma_start3A_209] : memref<10000x8xf32, #tpu.memory_space<vmem_shared>> -> memref<10000x8xf32, #tpu.memory_space<vmem_shared>>
      tpu.enqueue_indirect_dma source(%arg17 : memref<80x8xf32, #tpu.memory_space<vmem>>) target(%dma_start3A_210 : memref<10000x8xf32, #tpu.memory_space<vmem_shared>>) offsets(%dma_start3A_207 : memref<80xi32, #tpu.memory_space<vmem>>) semaphore(%arg28 : memref<!tpu.dma_semaphore, #tpu.memory_space<semaphore_mem>>) {add = true}
    } else {
    }
    %dma_wait3A_120 = arith.constant 0 : i32
    %dma_wait3A_121 = arith.constant 0 : i32
    %dma_wait3A_122 = tpu.memref_slice %arg2[%dma_wait3A_120, %dma_wait3A_121] : memref<20000x64xf32, #tpu.memory_space<hbm>> -> memref<80x64xf32, #tpu.memory_space<hbm>>
    %dma_wait3A_123 = arith.constant 0 : i32
    %dma_wait3A_124 = arith.constant 0 : i32
    %dma_wait3A_125 = tpu.memref_slice %arg2[%dma_wait3A_123, %dma_wait3A_124] : memref<20000x64xf32, #tpu.memory_space<hbm>> -> memref<80x64xf32, #tpu.memory_space<hbm>>
    tpu.wait_dma2 semaphore(%arg24 : memref<!tpu.dma_semaphore, #tpu.memory_space<semaphore_mem>>) src(%dma_wait3A_125 : memref<80x64xf32, #tpu.memory_space<hbm>>) dst(%arg16 : memref<80x64xf32, #tpu.memory_space<vmem>>)
    %dma_start3A_126 = arith.constant 249 : i32
    %dma_start3A_127 = arith.constant 0 : i32
    %dma_start3A_128 = tpu.memref_slice %arg11[%dma_start3A_126, %dma_start3A_127] : memref<250x80xi32, #tpu.memory_space<vmem>> -> memref<1x80xi32, #tpu.memory_space<vmem>>
    %dma_start3A_129 = tpu.memref_squeeze %dma_start3A_128 : memref<1x80xi32, #tpu.memory_space<vmem>> -> memref<80xi32, #tpu.memory_space<vmem>>
    %dma_start3A_130 = arith.constant 0 : i32
    %dma_start3A_131 = arith.constant 0 : i32
    %dma_start3A_132 = tpu.memref_slice %arg18[%dma_start3A_130, %dma_start3A_131] : memref<10000x64xf32, #tpu.memory_space<vmem_shared>> -> memref<10000x64xf32, #tpu.memory_space<vmem_shared>>
    tpu.enqueue_indirect_dma source(%arg16 : memref<80x64xf32, #tpu.memory_space<vmem>>) target(%dma_start3A_132 : memref<10000x64xf32, #tpu.memory_space<vmem_shared>>) offsets(%dma_start3A_129 : memref<80xi32, #tpu.memory_space<vmem>>) semaphore(%arg29 : memref<!tpu.dma_semaphore, #tpu.memory_space<semaphore_mem>>) {add = true}
    %eq3A_133 = arith.constant 0 : i32
    %eq3A_134 = arith.cmpi eq, %arg0, %eq3A_133 : i32
    %convert_element_type3A_135 = arith.extui %eq3A_134 : i1 to i32
    %cond3A_136 = arith.constant 0 : i32
    %cond3A_137 = arith.cmpi ne, %convert_element_type3A_135, %cond3A_136 : i32
    scf.if %cond3A_137 {
      %dma_start3A_204 = arith.constant 249 : i32
      %dma_start3A_205 = arith.constant 0 : i32
      %dma_start3A_206 = tpu.memref_slice %arg11[%dma_start3A_204, %dma_start3A_205] : memref<250x80xi32, #tpu.memory_space<vmem>> -> memref<1x80xi32, #tpu.memory_space<vmem>>
      %dma_start3A_207 = tpu.memref_squeeze %dma_start3A_206 : memref<1x80xi32, #tpu.memory_space<vmem>> -> memref<80xi32, #tpu.memory_space<vmem>>
      %dma_start3A_208 = arith.constant 0 : i32
      %dma_start3A_209 = arith.constant 0 : i32
      %dma_start3A_210 = tpu.memref_slice %arg19[%dma_start3A_208, %dma_start3A_209] : memref<10000x8xf32, #tpu.memory_space<vmem_shared>> -> memref<10000x8xf32, #tpu.memory_space<vmem_shared>>
      tpu.enqueue_indirect_dma source(%arg17 : memref<80x8xf32, #tpu.memory_space<vmem>>) target(%dma_start3A_210 : memref<10000x8xf32, #tpu.memory_space<vmem_shared>>) offsets(%dma_start3A_207 : memref<80xi32, #tpu.memory_space<vmem>>) semaphore(%arg29 : memref<!tpu.dma_semaphore, #tpu.memory_space<semaphore_mem>>) {add = true}
    } else {
    }
    %dma_wait3A_138 = arith.constant 0 : i32
    %dma_wait3A_139 = arith.constant 0 : i32
    %dma_wait3A_140 = tpu.memref_slice %arg18[%dma_wait3A_138, %dma_wait3A_139] : memref<10000x64xf32, #tpu.memory_space<vmem_shared>> -> memref<80x64xf32, #tpu.memory_space<vmem_shared>>
    %dma_wait3A_141 = arith.constant 0 : i32
    %dma_wait3A_142 = arith.constant 0 : i32
    %dma_wait3A_143 = tpu.memref_slice %arg18[%dma_wait3A_141, %dma_wait3A_142] : memref<10000x64xf32, #tpu.memory_space<vmem_shared>> -> memref<80x64xf32, #tpu.memory_space<vmem_shared>>
    tpu.wait_dma2 semaphore(%arg25 : memref<!tpu.dma_semaphore, #tpu.memory_space<semaphore_mem>>) src(%arg12 : memref<80x64xf32, #tpu.memory_space<vmem>>) dst(%dma_wait3A_143 : memref<80x64xf32, #tpu.memory_space<vmem_shared>>)
    %eq3A_144 = arith.constant 0 : i32
    %eq3A_145 = arith.cmpi eq, %arg0, %eq3A_144 : i32
    %convert_element_type3A_146 = arith.extui %eq3A_145 : i1 to i32
    %cond3A_147 = arith.constant 0 : i32
    %cond3A_148 = arith.cmpi ne, %convert_element_type3A_146, %cond3A_147 : i32
    scf.if %cond3A_148 {
      %dma_wait3A_204 = arith.constant 0 : i32
      %dma_wait3A_205 = arith.constant 0 : i32
      %dma_wait3A_206 = tpu.memref_slice %arg19[%dma_wait3A_204, %dma_wait3A_205] : memref<10000x8xf32, #tpu.memory_space<vmem_shared>> -> memref<80x8xf32, #tpu.memory_space<vmem_shared>>
      %dma_wait3A_207 = arith.constant 0 : i32
      %dma_wait3A_208 = arith.constant 0 : i32
      %dma_wait3A_209 = tpu.memref_slice %arg19[%dma_wait3A_207, %dma_wait3A_208] : memref<10000x8xf32, #tpu.memory_space<vmem_shared>> -> memref<80x8xf32, #tpu.memory_space<vmem_shared>>
      tpu.wait_dma2 semaphore(%arg25 : memref<!tpu.dma_semaphore, #tpu.memory_space<semaphore_mem>>) src(%arg17 : memref<80x8xf32, #tpu.memory_space<vmem>>) dst(%dma_wait3A_209 : memref<80x8xf32, #tpu.memory_space<vmem_shared>>)
    } else {
    }
    %dma_wait3A_149 = arith.constant 0 : i32
    %dma_wait3A_150 = arith.constant 0 : i32
    %dma_wait3A_151 = tpu.memref_slice %arg18[%dma_wait3A_149, %dma_wait3A_150] : memref<10000x64xf32, #tpu.memory_space<vmem_shared>> -> memref<80x64xf32, #tpu.memory_space<vmem_shared>>
    %dma_wait3A_152 = arith.constant 0 : i32
    %dma_wait3A_153 = arith.constant 0 : i32
    %dma_wait3A_154 = tpu.memref_slice %arg18[%dma_wait3A_152, %dma_wait3A_153] : memref<10000x64xf32, #tpu.memory_space<vmem_shared>> -> memref<80x64xf32, #tpu.memory_space<vmem_shared>>
    tpu.wait_dma2 semaphore(%arg26 : memref<!tpu.dma_semaphore, #tpu.memory_space<semaphore_mem>>) src(%arg13 : memref<80x64xf32, #tpu.memory_space<vmem>>) dst(%dma_wait3A_154 : memref<80x64xf32, #tpu.memory_space<vmem_shared>>)
    %eq3A_155 = arith.constant 0 : i32
    %eq3A_156 = arith.cmpi eq, %arg0, %eq3A_155 : i32
    %convert_element_type3A_157 = arith.extui %eq3A_156 : i1 to i32
    %cond3A_158 = arith.constant 0 : i32
    %cond3A_159 = arith.cmpi ne, %convert_element_type3A_157, %cond3A_158 : i32
    scf.if %cond3A_159 {
      %dma_wait3A_204 = arith.constant 0 : i32
      %dma_wait3A_205 = arith.constant 0 : i32
      %dma_wait3A_206 = tpu.memref_slice %arg19[%dma_wait3A_204, %dma_wait3A_205] : memref<10000x8xf32, #tpu.memory_space<vmem_shared>> -> memref<80x8xf32, #tpu.memory_space<vmem_shared>>
      %dma_wait3A_207 = arith.constant 0 : i32
      %dma_wait3A_208 = arith.constant 0 : i32
      %dma_wait3A_209 = tpu.memref_slice %arg19[%dma_wait3A_207, %dma_wait3A_208] : memref<10000x8xf32, #tpu.memory_space<vmem_shared>> -> memref<80x8xf32, #tpu.memory_space<vmem_shared>>
      tpu.wait_dma2 semaphore(%arg26 : memref<!tpu.dma_semaphore, #tpu.memory_space<semaphore_mem>>) src(%arg17 : memref<80x8xf32, #tpu.memory_space<vmem>>) dst(%dma_wait3A_209 : memref<80x8xf32, #tpu.memory_space<vmem_shared>>)
    } else {
    }
    %dma_wait3A_160 = arith.constant 0 : i32
    %dma_wait3A_161 = arith.constant 0 : i32
    %dma_wait3A_162 = tpu.memref_slice %arg18[%dma_wait3A_160, %dma_wait3A_161] : memref<10000x64xf32, #tpu.memory_space<vmem_shared>> -> memref<80x64xf32, #tpu.memory_space<vmem_shared>>
    %dma_wait3A_163 = arith.constant 0 : i32
    %dma_wait3A_164 = arith.constant 0 : i32
    %dma_wait3A_165 = tpu.memref_slice %arg18[%dma_wait3A_163, %dma_wait3A_164] : memref<10000x64xf32, #tpu.memory_space<vmem_shared>> -> memref<80x64xf32, #tpu.memory_space<vmem_shared>>
    tpu.wait_dma2 semaphore(%arg27 : memref<!tpu.dma_semaphore, #tpu.memory_space<semaphore_mem>>) src(%arg14 : memref<80x64xf32, #tpu.memory_space<vmem>>) dst(%dma_wait3A_165 : memref<80x64xf32, #tpu.memory_space<vmem_shared>>)
    %eq3A_166 = arith.constant 0 : i32
    %eq3A_167 = arith.cmpi eq, %arg0, %eq3A_166 : i32
    %convert_element_type3A_168 = arith.extui %eq3A_167 : i1 to i32
    %cond3A_169 = arith.constant 0 : i32
    %cond3A_170 = arith.cmpi ne, %convert_element_type3A_168, %cond3A_169 : i32
    scf.if %cond3A_170 {
      %dma_wait3A_204 = arith.constant 0 : i32
      %dma_wait3A_205 = arith.constant 0 : i32
      %dma_wait3A_206 = tpu.memref_slice %arg19[%dma_wait3A_204, %dma_wait3A_205] : memref<10000x8xf32, #tpu.memory_space<vmem_shared>> -> memref<80x8xf32, #tpu.memory_space<vmem_shared>>
      %dma_wait3A_207 = arith.constant 0 : i32
      %dma_wait3A_208 = arith.constant 0 : i32
      %dma_wait3A_209 = tpu.memref_slice %arg19[%dma_wait3A_207, %dma_wait3A_208] : memref<10000x8xf32, #tpu.memory_space<vmem_shared>> -> memref<80x8xf32, #tpu.memory_space<vmem_shared>>
      tpu.wait_dma2 semaphore(%arg27 : memref<!tpu.dma_semaphore, #tpu.memory_space<semaphore_mem>>) src(%arg17 : memref<80x8xf32, #tpu.memory_space<vmem>>) dst(%dma_wait3A_209 : memref<80x8xf32, #tpu.memory_space<vmem_shared>>)
    } else {
    }
    %dma_wait3A_171 = arith.constant 0 : i32
    %dma_wait3A_172 = arith.constant 0 : i32
    %dma_wait3A_173 = tpu.memref_slice %arg18[%dma_wait3A_171, %dma_wait3A_172] : memref<10000x64xf32, #tpu.memory_space<vmem_shared>> -> memref<80x64xf32, #tpu.memory_space<vmem_shared>>
    %dma_wait3A_174 = arith.constant 0 : i32
    %dma_wait3A_175 = arith.constant 0 : i32
    %dma_wait3A_176 = tpu.memref_slice %arg18[%dma_wait3A_174, %dma_wait3A_175] : memref<10000x64xf32, #tpu.memory_space<vmem_shared>> -> memref<80x64xf32, #tpu.memory_space<vmem_shared>>
    tpu.wait_dma2 semaphore(%arg28 : memref<!tpu.dma_semaphore, #tpu.memory_space<semaphore_mem>>) src(%arg15 : memref<80x64xf32, #tpu.memory_space<vmem>>) dst(%dma_wait3A_176 : memref<80x64xf32, #tpu.memory_space<vmem_shared>>)
    %eq3A_177 = arith.constant 0 : i32
    %eq3A_178 = arith.cmpi eq, %arg0, %eq3A_177 : i32
    %convert_element_type3A_179 = arith.extui %eq3A_178 : i1 to i32
    %cond3A_180 = arith.constant 0 : i32
    %cond3A_181 = arith.cmpi ne, %convert_element_type3A_179, %cond3A_180 : i32
    scf.if %cond3A_181 {
      %dma_wait3A_204 = arith.constant 0 : i32
      %dma_wait3A_205 = arith.constant 0 : i32
      %dma_wait3A_206 = tpu.memref_slice %arg19[%dma_wait3A_204, %dma_wait3A_205] : memref<10000x8xf32, #tpu.memory_space<vmem_shared>> -> memref<80x8xf32, #tpu.memory_space<vmem_shared>>
      %dma_wait3A_207 = arith.constant 0 : i32
      %dma_wait3A_208 = arith.constant 0 : i32
      %dma_wait3A_209 = tpu.memref_slice %arg19[%dma_wait3A_207, %dma_wait3A_208] : memref<10000x8xf32, #tpu.memory_space<vmem_shared>> -> memref<80x8xf32, #tpu.memory_space<vmem_shared>>
      tpu.wait_dma2 semaphore(%arg28 : memref<!tpu.dma_semaphore, #tpu.memory_space<semaphore_mem>>) src(%arg17 : memref<80x8xf32, #tpu.memory_space<vmem>>) dst(%dma_wait3A_209 : memref<80x8xf32, #tpu.memory_space<vmem_shared>>)
    } else {
    }
    %dma_wait3A_182 = arith.constant 0 : i32
    %dma_wait3A_183 = arith.constant 0 : i32
    %dma_wait3A_184 = tpu.memref_slice %arg18[%dma_wait3A_182, %dma_wait3A_183] : memref<10000x64xf32, #tpu.memory_space<vmem_shared>> -> memref<80x64xf32, #tpu.memory_space<vmem_shared>>
    %dma_wait3A_185 = arith.constant 0 : i32
    %dma_wait3A_186 = arith.constant 0 : i32
    %dma_wait3A_187 = tpu.memref_slice %arg18[%dma_wait3A_185, %dma_wait3A_186] : memref<10000x64xf32, #tpu.memory_space<vmem_shared>> -> memref<80x64xf32, #tpu.memory_space<vmem_shared>>
    tpu.wait_dma2 semaphore(%arg29 : memref<!tpu.dma_semaphore, #tpu.memory_space<semaphore_mem>>) src(%arg16 : memref<80x64xf32, #tpu.memory_space<vmem>>) dst(%dma_wait3A_187 : memref<80x64xf32, #tpu.memory_space<vmem_shared>>)
    %eq3A_188 = arith.constant 0 : i32
    %eq3A_189 = arith.cmpi eq, %arg0, %eq3A_188 : i32
    %convert_element_type3A_190 = arith.extui %eq3A_189 : i1 to i32
    %cond3A_191 = arith.constant 0 : i32
    %cond3A_192 = arith.cmpi ne, %convert_element_type3A_190, %cond3A_191 : i32
    scf.if %cond3A_192 {
      %dma_wait3A_204 = arith.constant 0 : i32
      %dma_wait3A_205 = arith.constant 0 : i32
      %dma_wait3A_206 = tpu.memref_slice %arg19[%dma_wait3A_204, %dma_wait3A_205] : memref<10000x8xf32, #tpu.memory_space<vmem_shared>> -> memref<80x8xf32, #tpu.memory_space<vmem_shared>>
      %dma_wait3A_207 = arith.constant 0 : i32
      %dma_wait3A_208 = arith.constant 0 : i32
      %dma_wait3A_209 = tpu.memref_slice %arg19[%dma_wait3A_207, %dma_wait3A_208] : memref<10000x8xf32, #tpu.memory_space<vmem_shared>> -> memref<80x8xf32, #tpu.memory_space<vmem_shared>>
      tpu.wait_dma2 semaphore(%arg29 : memref<!tpu.dma_semaphore, #tpu.memory_space<semaphore_mem>>) src(%arg17 : memref<80x8xf32, #tpu.memory_space<vmem>>) dst(%dma_wait3A_209 : memref<80x8xf32, #tpu.memory_space<vmem_shared>>)
    } else {
    }
    %barrier3A_193 = arith.constant 0 : index
    tpu.barrier barrier_id(%barrier3A_193)
    %eq3A_194 = arith.constant 0 : i32
    %eq3A_195 = arith.cmpi eq, %arg0, %eq3A_194 : i32
    %convert_element_type3A_196 = arith.extui %eq3A_195 : i1 to i32
    %cond3A_197 = arith.constant 0 : i32
    %cond3A_198 = arith.cmpi ne, %convert_element_type3A_196, %cond3A_197 : i32
    scf.if %cond3A_198 {
      "tpu.region"() ({
        %run_scoped3A_204 = tpu.sem_alloc : memref<!tpu.dma_semaphore, #tpu.memory_space<semaphore_mem>>
        %dma_start3A_205 = arith.constant 0 : i32
        %dma_start3A_206 = tpu.memref_slice %arg7[%mul3A_0, %dma_start3A_205] : memref<10000x64xf32, #tpu.memory_space<hbm>> -> memref<640x64xf32, #tpu.memory_space<hbm>>
        %dma_start3A_207 = arith.constant 0 : i32
        %dma_start3A_208 = tpu.memref_slice %arg18[%mul3A_0, %dma_start3A_207] : memref<10000x64xf32, #tpu.memory_space<vmem_shared>> -> memref<640x64xf32, #tpu.memory_space<vmem_shared>>
        tpu.enqueue_dma source(%dma_start3A_208 : memref<640x64xf32, #tpu.memory_space<vmem_shared>>) target(%dma_start3A_206 : memref<640x64xf32, #tpu.memory_space<hbm>>) target_semaphore(%run_scoped3A_204 : memref<!tpu.dma_semaphore, #tpu.memory_space<semaphore_mem>>)
        %dma_wait3A_209 = arith.constant 0 : i32
        %dma_wait3A_210 = tpu.memref_slice %arg7[%mul3A_0, %dma_wait3A_209] : memref<10000x64xf32, #tpu.memory_space<hbm>> -> memref<640x64xf32, #tpu.memory_space<hbm>>
        %dma_wait3A_211 = arith.constant 0 : i32
        %dma_wait3A_212 = tpu.memref_slice %arg18[%mul3A_0, %dma_wait3A_211] : memref<10000x64xf32, #tpu.memory_space<vmem_shared>> -> memref<640x64xf32, #tpu.memory_space<vmem_shared>>
        tpu.wait_dma2 semaphore(%run_scoped3A_204 : memref<!tpu.dma_semaphore, #tpu.memory_space<semaphore_mem>>) src(%dma_wait3A_212 : memref<640x64xf32, #tpu.memory_space<vmem_shared>>) dst(%dma_wait3A_210 : memref<640x64xf32, #tpu.memory_space<hbm>>)
        tpu.yield
      }) : () -> ()
      "tpu.region"() ({
        %run_scoped3A_204 = tpu.sem_alloc : memref<!tpu.dma_semaphore, #tpu.memory_space<semaphore_mem>>
        %dma_start3A_205 = arith.constant 0 : i32
        %dma_start3A_206 = tpu.memref_slice %arg9[%mul3A_0, %dma_start3A_205] : memref<10000x8xf32, #tpu.memory_space<hbm>> -> memref<640x8xf32, #tpu.memory_space<hbm>>
        %dma_start3A_207 = arith.constant 0 : i32
        %dma_start3A_208 = tpu.memref_slice %arg19[%mul3A_0, %dma_start3A_207] : memref<10000x8xf32, #tpu.memory_space<vmem_shared>> -> memref<640x8xf32, #tpu.memory_space<vmem_shared>>
        tpu.enqueue_dma source(%dma_start3A_208 : memref<640x8xf32, #tpu.memory_space<vmem_shared>>) target(%dma_start3A_206 : memref<640x8xf32, #tpu.memory_space<hbm>>) target_semaphore(%run_scoped3A_204 : memref<!tpu.dma_semaphore, #tpu.memory_space<semaphore_mem>>)
        %dma_wait3A_209 = arith.constant 0 : i32
        %dma_wait3A_210 = tpu.memref_slice %arg9[%mul3A_0, %dma_wait3A_209] : memref<10000x8xf32, #tpu.memory_space<hbm>> -> memref<640x8xf32, #tpu.memory_space<hbm>>
        %dma_wait3A_211 = arith.constant 0 : i32
        %dma_wait3A_212 = tpu.memref_slice %arg19[%mul3A_0, %dma_wait3A_211] : memref<10000x8xf32, #tpu.memory_space<vmem_shared>> -> memref<640x8xf32, #tpu.memory_space<vmem_shared>>
        tpu.wait_dma2 semaphore(%run_scoped3A_204 : memref<!tpu.dma_semaphore, #tpu.memory_space<semaphore_mem>>) src(%dma_wait3A_212 : memref<640x8xf32, #tpu.memory_space<vmem_shared>>) dst(%dma_wait3A_210 : memref<640x8xf32, #tpu.memory_space<hbm>>)
        tpu.yield
      }) : () -> ()
    } else {
    }
    %eq3A_199 = arith.constant 1 : i32
    %eq3A_200 = arith.cmpi eq, %arg0, %eq3A_199 : i32
    %convert_element_type3A_201 = arith.extui %eq3A_200 : i1 to i32
    %cond3A_202 = arith.constant 0 : i32
    %cond3A_203 = arith.cmpi ne, %convert_element_type3A_201, %cond3A_202 : i32
    scf.if %cond3A_203 {
      "tpu.region"() ({
        %run_scoped3A_204 = tpu.sem_alloc : memref<!tpu.dma_semaphore, #tpu.memory_space<semaphore_mem>>
        %dma_start3A_205 = arith.constant 0 : i32
        %dma_start3A_206 = tpu.memref_slice %arg8[%mul3A_0, %dma_start3A_205] : memref<10000x64xf32, #tpu.memory_space<hbm>> -> memref<640x64xf32, #tpu.memory_space<hbm>>
        %dma_start3A_207 = arith.constant 0 : i32
        %dma_start3A_208 = tpu.memref_slice %arg18[%mul3A_0, %dma_start3A_207] : memref<10000x64xf32, #tpu.memory_space<vmem_shared>> -> memref<640x64xf32, #tpu.memory_space<vmem_shared>>
        tpu.enqueue_dma source(%dma_start3A_208 : memref<640x64xf32, #tpu.memory_space<vmem_shared>>) target(%dma_start3A_206 : memref<640x64xf32, #tpu.memory_space<hbm>>) target_semaphore(%run_scoped3A_204 : memref<!tpu.dma_semaphore, #tpu.memory_space<semaphore_mem>>)
        %dma_wait3A_209 = arith.constant 0 : i32
        %dma_wait3A_210 = tpu.memref_slice %arg8[%mul3A_0, %dma_wait3A_209] : memref<10000x64xf32, #tpu.memory_space<hbm>> -> memref<640x64xf32, #tpu.memory_space<hbm>>
        %dma_wait3A_211 = arith.constant 0 : i32
        %dma_wait3A_212 = tpu.memref_slice %arg18[%mul3A_0, %dma_wait3A_211] : memref<10000x64xf32, #tpu.memory_space<vmem_shared>> -> memref<640x64xf32, #tpu.memory_space<vmem_shared>>
        tpu.wait_dma2 semaphore(%run_scoped3A_204 : memref<!tpu.dma_semaphore, #tpu.memory_space<semaphore_mem>>) src(%dma_wait3A_212 : memref<640x64xf32, #tpu.memory_space<vmem_shared>>) dst(%dma_wait3A_210 : memref<640x64xf32, #tpu.memory_space<hbm>>)
        tpu.yield
      }) : () -> ()
    } else {
    }
    return
  }
}

module attributes {stable_mosaic.version = 14 : i64} {
  func.func @body(%arg0: i32, %arg1: memref<1000x128xf32, #tpu.memory_space<vmem>>, %arg2: memref<1000x64xf32, #tpu.memory_space<vmem>>, %arg3: memref<1000x64xf32, #tpu.memory_space<vmem>>, %arg4: memref<1000x8xf32, #tpu.memory_space<vmem>>, %arg5: memref<128x128xf32, #tpu.memory_space<vmem>>, %arg6: memref<64x128xf32, #tpu.memory_space<vmem>>, %arg7: memref<64x128xf32, #tpu.memory_space<vmem>>, %arg8: memref<1x128xf32, #tpu.memory_space<vmem>>, %arg9: memref<1000x128xf32, #tpu.memory_space<vmem>>) attributes {dimension_semantics = [#tpu.dimension_semantics<arbitrary>], iteration_bounds = array<i64: 10>, scalar_prefetch = 0 : i64, scratch_operands = 0 : i64, tpu.core_type = #tpu.core_type<tc>, window_params = [{transform_indices = @transform_0, window_bounds = array<i64: 1000, 128>}, {transform_indices = @transform_1, window_bounds = array<i64: 1000, 64>}, {transform_indices = @transform_2, window_bounds = array<i64: 1000, 64>}, {transform_indices = @transform_3, window_bounds = array<i64: 1000, 8>}, {pipeline_mode = #tpu.pipeline_mode<synchronous>, transform_indices = @transform_4, window_bounds = array<i64: 128, 128>}, {pipeline_mode = #tpu.pipeline_mode<synchronous>, transform_indices = @transform_5, window_bounds = array<i64: 64, 128>}, {pipeline_mode = #tpu.pipeline_mode<synchronous>, transform_indices = @transform_6, window_bounds = array<i64: 64, 128>}, {pipeline_mode = #tpu.pipeline_mode<synchronous>, transform_indices = @transform_7, window_bounds = array<i64: 1, 128>}, {transform_indices = @transform_8, window_bounds = array<i64: 1000, 128>}]} {
    %get3A = arith.constant 0 : index
    %get3A_0 = arith.constant 0 : index
    %get3A_1 = vector.load %arg4[%get3A, %get3A_0] : memref<1000x8xf32, #tpu.memory_space<vmem>>, vector<1000x1xf32>
    %gt3A = arith.constant 0.000000e+00 : f32
    %gt3A_2 = vector.broadcast %gt3A : f32 to vector<1000x1xf32>
    %gt3A_3 = arith.cmpf ogt, %get3A_1, %gt3A_2 : vector<1000x1xf32>
    %convert_element_type3A = arith.extui %gt3A_3 : vector<1000x1xi1> to vector<1000x1xi32>
    %convert_element_type3A_4 = arith.sitofp %convert_element_type3A : vector<1000x1xi32> to vector<1000x1xf32>
    %max3A = arith.constant 1.000000e+00 : f32
    %max3A_5 = vector.broadcast %max3A : f32 to vector<1000x1xf32>
    %max3A_6 = arith.maximumf %get3A_1, %max3A_5 : vector<1000x1xf32>
    %div3A = arith.constant 1.000000e+00 : f32
    %div3A_7 = vector.broadcast %div3A : f32 to vector<1000x1xf32>
    %div3A_8 = arith.divf %div3A_7, %max3A_6 : vector<1000x1xf32>
    %get3A_9 = arith.constant 0 : index
    %get3A_10 = arith.constant 0 : index
    %get3A_11 = vector.load %arg1[%get3A_9, %get3A_10] : memref<1000x128xf32, #tpu.memory_space<vmem>>, vector<1000x128xf32>
    %get3A_12 = arith.constant 0 : index
    %get3A_13 = arith.constant 0 : index
    %get3A_14 = vector.load %arg5[%get3A_12, %get3A_13] : memref<128x128xf32, #tpu.memory_space<vmem>>, vector<128x128xf32>
    %dot_general3A = arith.constant dense<0.000000e+00> : vector<1000x128xf32>
    %dot_general3A_15 = tpu.matmul %get3A_11, %get3A_14, %dot_general3A {dimension_numbers = #tpu.dot_dimension_numbers<[1], [0], [0], [1], [0, 0, 1, 1], [], []>, transpose_lhs_hint = false} : vector<1000x128xf32>, vector<128x128xf32>, vector<1000x128xf32> -> vector<1000x128xf32>
    %get3A_16 = arith.constant 0 : index
    %get3A_17 = arith.constant 0 : index
    %get3A_18 = vector.load %arg2[%get3A_16, %get3A_17] : memref<1000x64xf32, #tpu.memory_space<vmem>>, vector<1000x64xf32>
    %mul3A = vector.broadcast %div3A_8 : vector<1000x1xf32> to vector<1000x64xf32>
    %mul3A_19 = arith.mulf %get3A_18, %mul3A : vector<1000x64xf32>
    %get3A_20 = arith.constant 0 : index
    %get3A_21 = arith.constant 0 : index
    %get3A_22 = vector.load %arg6[%get3A_20, %get3A_21] : memref<64x128xf32, #tpu.memory_space<vmem>>, vector<64x128xf32>
    %dot_general3A_23 = arith.constant dense<0.000000e+00> : vector<1000x128xf32>
    %dot_general3A_24 = tpu.matmul %mul3A_19, %get3A_22, %dot_general3A_23 {dimension_numbers = #tpu.dot_dimension_numbers<[1], [0], [0], [1], [0, 0, 1, 1], [], []>, transpose_lhs_hint = false} : vector<1000x64xf32>, vector<64x128xf32>, vector<1000x128xf32> -> vector<1000x128xf32>
    %get3A_25 = arith.constant 0 : index
    %get3A_26 = arith.constant 0 : index
    %get3A_27 = vector.load %arg3[%get3A_25, %get3A_26] : memref<1000x64xf32, #tpu.memory_space<vmem>>, vector<1000x64xf32>
    %mul3A_28 = vector.broadcast %div3A_8 : vector<1000x1xf32> to vector<1000x64xf32>
    %mul3A_29 = arith.mulf %get3A_27, %mul3A_28 : vector<1000x64xf32>
    %get3A_30 = arith.constant 0 : index
    %get3A_31 = arith.constant 0 : index
    %get3A_32 = vector.load %arg7[%get3A_30, %get3A_31] : memref<64x128xf32, #tpu.memory_space<vmem>>, vector<64x128xf32>
    %dot_general3A_33 = arith.constant dense<0.000000e+00> : vector<1000x128xf32>
    %dot_general3A_34 = tpu.matmul %mul3A_29, %get3A_32, %dot_general3A_33 {dimension_numbers = #tpu.dot_dimension_numbers<[1], [0], [0], [1], [0, 0, 1, 1], [], []>, transpose_lhs_hint = false} : vector<1000x64xf32>, vector<64x128xf32>, vector<1000x128xf32> -> vector<1000x128xf32>
    %add3A = arith.addf %dot_general3A_24, %dot_general3A_34 : vector<1000x128xf32>
    %get3A_35 = arith.constant 0 : index
    %get3A_36 = arith.constant 0 : index
    %get3A_37 = vector.load %arg8[%get3A_35, %get3A_36] : memref<1x128xf32, #tpu.memory_space<vmem>>, vector<1x128xf32>
    %add3A_38 = vector.broadcast %get3A_37 : vector<1x128xf32> to vector<1000x128xf32>
    %add3A_39 = arith.addf %dot_general3A_15, %add3A_38 : vector<1000x128xf32>
    %mul3A_40 = vector.broadcast %convert_element_type3A_4 : vector<1000x1xf32> to vector<1000x128xf32>
    %mul3A_41 = arith.mulf %mul3A_40, %add3A_39 : vector<1000x128xf32>
    %add3A_42 = arith.addf %mul3A_41, %add3A : vector<1000x128xf32>
    %swap3A = arith.constant 0 : index
    %swap3A_43 = arith.constant 0 : index
    %swap3A_44 = vector.load %arg9[%swap3A, %swap3A_43] : memref<1000x128xf32, #tpu.memory_space<vmem>>, vector<1000x128xf32>
    tpu.vector_store %arg9[%swap3A, %swap3A_43], %add3A_42 {strides = array<i32>} : memref<1000x128xf32, #tpu.memory_space<vmem>>, vector<1000x128xf32>,
    return
  }
  func.func @transform_0(%arg0: i32) -> (i32, i32) {
    %c0_i32 = arith.constant 0 : i32
    %c0_i32_0 = arith.constant 0 : i32
    return %arg0, %c0_i32 : i32, i32
  }
  func.func @transform_1(%arg0: i32) -> (i32, i32) {
    %c0_i32 = arith.constant 0 : i32
    %c0_i32_0 = arith.constant 0 : i32
    return %arg0, %c0_i32 : i32, i32
  }
  func.func @transform_2(%arg0: i32) -> (i32, i32) {
    %c0_i32 = arith.constant 0 : i32
    %c0_i32_0 = arith.constant 0 : i32
    return %arg0, %c0_i32 : i32, i32
  }
  func.func @transform_3(%arg0: i32) -> (i32, i32) {
    %c0_i32 = arith.constant 0 : i32
    %c0_i32_0 = arith.constant 0 : i32
    return %arg0, %c0_i32 : i32, i32
  }
  func.func @transform_4(%arg0: i32) -> (i32, i32) {
    %c0_i32 = arith.constant 0 : i32
    %c0_i32_0 = arith.constant 0 : i32
    %c0_i32_1 = arith.constant 0 : i32
    return %c0_i32, %c0_i32_0 : i32, i32
  }
  func.func @transform_5(%arg0: i32) -> (i32, i32) {
    %c0_i32 = arith.constant 0 : i32
    %c0_i32_0 = arith.constant 0 : i32
    %c0_i32_1 = arith.constant 0 : i32
    return %c0_i32, %c0_i32_0 : i32, i32
  }
  func.func @transform_6(%arg0: i32) -> (i32, i32) {
    %c0_i32 = arith.constant 0 : i32
    %c0_i32_0 = arith.constant 0 : i32
    %c0_i32_1 = arith.constant 0 : i32
    return %c0_i32, %c0_i32_0 : i32, i32
  }
  func.func @transform_7(%arg0: i32) -> (i32, i32) {
    %c0_i32 = arith.constant 0 : i32
    %c0_i32_0 = arith.constant 0 : i32
    %c0_i32_1 = arith.constant 0 : i32
    return %c0_i32, %c0_i32_0 : i32, i32
  }
  func.func @transform_8(%arg0: i32) -> (i32, i32) {
    %c0_i32 = arith.constant 0 : i32
    %c0_i32_0 = arith.constant 0 : i32
    return %arg0, %c0_i32 : i32, i32
  }
}

</mosaic_0001>

<sc_bundles>
// kernel: kernel.4.cloned.1.call-start
scs
__scs_entry_jumppad:
0x0: {  	(pc) =	sbr.rel $0x88, $3  }
0x1: {  	(tag) =	ssettag $0x0;
	lr =	simm.s32 $0x1  }
0x2: {  	[smem:$0x3F9D] =	sst lr;
	_ =	strace $0xD0000000  }
0x3: {  	_ = 	snop  }
0x4: {  	_ = 	snop  }
0x5: {  	_ = 	snop  }
0x6: {  	_ = 	snop  }
0x7: {  	_ = 	snop  }
__scs_overlays_trampoline_lowered:
0x8: {  	[smem:$0x3FAC] =	sst s0  }
0x9: {  	[smem:$0x3FAD] =	sst s1  }
0xa: {  	[smem:$0x3FAE] =	sst s2  }
0xb: {  	[smem:$0x3FAF] =	sst s3  }
0xc: {  	[smem:$0x3FB0] =	sst s4  }
0xd: {  	[smem:$0x3FB1] =	sst s5  }
0xe: {  	[smem:$0x3FB2] =	sst s6  }
0xf: {  	[smem:$0x3FB3] =	sst s7  }
0x10: {  	[smem:$0x3FB4] =	sst s8  }
0x11: {  	[smem:$0x3FB5] =	sst s9;
	s0 =	simm.s32 @!p0 $0x0  }
0x12: {  	s1 =	sld [smem:$0x3F9B];
	s0 =	simm.s32 @p0 $0x1  }
0x13: {  	[smem:$0x3FB6] =	sst s0;
	s0 =	simm.s32 @!p1 $0x0  }
0x14: {  	s2 =	sld [smem:$0x3F9A];
	s0 =	simm.s32 @p1 $0x1  }
0x15: {  	[smem:$0x3FB7] =	sst s0;
	s0 =	simm.s32 @!p2 $0x0  }
0x16: {  	s3 =	sld [smem:$0x3FDB];
	s0 =	simm.s32 @p2 $0x1  }
0x17: {  	s4 =	simm.s32 $0x1BF5;
	[smem:$0x3FB9] =	sst s0  }
0x18: {  	s0 =	sld [smem:$0x3F9C];
	_ =	swait.ge [sflag:s4], $0x0  }
0x19: {  	s7 =	sld [smem:$0x3F9D]  }
0x1a: {  	s8 =	sadd.s32 $0xFFFFE003, lr  }
0x1b: {  	s9 =	sadd.s32 $0xFFFFFEF7, lr;
	s5 =	simm.s32 $0xFFFFFFFF;
	p2 =	slt.u32 s8, $0xFFFFF086  }
0x1c: {  	p1 =	slt.u32 s9, $0xF7A;
	s5 =	simm.s32 @!p2 $0x0  }
0x1d: {  	s5 =	simm.s32 @p1 $0x1;
	p0 =	seq.s32 s7, s2  }
0x1e: {  	s7 =	smul.u32 @!p0 $0xF7A, s2;
	p2 =	seq.s32 @!p0 s5, $0x0  }
0x1f: {  	s9 =	smul.u32 $0xF7A, s1;
	s8 =	simm.s32 @!p0 $0x1BF5;
	p2 =	por !p2, p0  }
0x20: {  	[sflag:s8] =	ssyncset.s32 @!p0 $0xFFFFF086;
	s6 =	sadd.s32 @!p0 s3, s7;
	s7 =	simm.s32 @!p0 $0x108  }
0x21: {  	s3 =	sadd.s32 s3, s9;
	s6 =	sadd.s32 @!p0 $0x88, s6;
	s7 =	simm.s32 @p2 $0x1082  }
0x22: {  	[simem:s7], [sflag:s8] =	dma.local @!p0 [hbm:s6], $0xF7A  }
0x23: {  	s9 =	sor.u32 $0xD0000000, s2;
	s6 =	simm.s32 $0x108;
	_ =	swait.ge @!p0 [sflag:s8], $0x0  }
0x24: {  	s3 =	sadd.s32 $0x88, s3;
	s6 =	simm.s32 @!p1 $0x1082;
	[sflag:s4] =	ssyncset.s32 $0xFFFFF086  }
0x25: {  	[simem:s6], [sflag:s4] =	dma.local [hbm:s3], $0xF7A  }
0x26: {  	[smem:$0x3F9D] =	sst s1;
	(tag) =	ssettag s2;
	_ =	strace s9  }
0x27: {  	s1 =	sld [smem:$0x3FAD]  }
0x28: {  	s2 =	sld [smem:$0x3FAE]  }
0x29: {  	s4 =	sld [smem:$0x3FB0]  }
0x2a: {  	p0 =	seq.s32 s5, $0x0;
	s5 =	sld [smem:$0x3FB1]  }
0x2b: {  	s6 =	sld [smem:$0x3FB2]  }
0x2c: {  	s7 =	sld [smem:$0x3FB3]  }
0x2d: {  	s3 =	simm.s32 $0x108;
	s8 =	sld [smem:$0x3FB4]  }
0x2e: {  	s3 =	simm.s32 @!p0 $0x1082;
	s9 =	sld [smem:$0x3FB5]  }
0x2f: {  	lr =	sadd.s32 s0, s3;
	s0 =	sld [smem:$0x3FAC]  }
0x30: {  	s3 =	sld [smem:$0x3FAF]  }
0x31: {  	[smem:$0x3FB8] =	sst s10  }
0x32: {  	s10 =	sld [smem:$0x3FB6];
	_ =	sdelay $0x3  }
0x33: {  	p0 =	seq.s32 s10, $0x1;
	s10 =	sld [smem:$0x3FB8];
	_ =	sdelay $0x3  }
0x34: {  	[smem:$0x3FB8] =	sst s10  }
0x35: {  	s10 =	sld [smem:$0x3FB7];
	_ =	sdelay $0x3  }
0x36: {  	p1 =	seq.s32 s10, $0x1;
	s10 =	sld [smem:$0x3FB8];
	_ =	sdelay $0x3  }
0x37: {  	[smem:$0x3FB8] =	sst s10  }
0x38: {  	s10 =	sld [smem:$0x3FB9]  }
0x39: {  	_ = 	snop;
	(pc) =	sbr.ind lr, $3  }
0x3a: {  	_ = 	snop  }
0x3b: {  	_ = 	snop  }
0x3c: {  	p2 =	seq.s32 s10, $0x1;
	s10 =	sld [smem:$0x3FB8]  }
0x3d: {  	_ =	shalt  }
0x3e: {  	_ =	shalt  }
0x3f: {  	_ =	shalt  }
0x40: {  	_ =	shalt  }
0x41: {  	_ =	shalt  }
0x42: {  	_ =	shalt  }
0x43: {  	_ =	shalt  }
0x44: {  	_ =	shalt  }
0x45: {  	_ =	shalt  }
0x46: {  	_ =	shalt  }
0x47: {  	_ =	shalt  }
0x48: {  	_ =	shalt  }
0x49: {  	_ =	shalt  }
0x4a: {  	_ =	shalt  }
0x4b: {  	_ =	shalt  }
0x4c: {  	_ =	shalt  }
0x4d: {  	_ =	shalt  }
0x4e: {  	_ =	shalt  }
0x4f: {  	_ =	shalt  }
0x50: {  	_ =	shalt  }
0x51: {  	_ =	shalt  }
0x52: {  	_ =	shalt  }
0x53: {  	_ =	shalt  }
0x54: {  	_ =	shalt  }
0x55: {  	_ =	shalt  }
0x56: {  	_ =	shalt  }
0x57: {  	_ =	shalt  }
0x58: {  	_ =	shalt  }
0x59: {  	_ =	shalt  }
0x5a: {  	_ =	shalt  }
0x5b: {  	_ =	shalt  }
0x5c: {  	_ =	shalt  }
0x5d: {  	_ =	shalt  }
0x5e: {  	_ =	shalt  }
0x5f: {  	_ =	shalt  }
0x60: {  	_ =	shalt  }
0x61: {  	_ =	shalt  }
0x62: {  	_ =	shalt  }
0x63: {  	_ =	shalt  }
0x64: {  	_ =	shalt  }
0x65: {  	_ =	shalt  }
0x66: {  	_ =	shalt  }
0x67: {  	_ =	shalt  }
0x68: {  	_ =	shalt  }
0x69: {  	_ =	shalt  }
0x6a: {  	_ =	shalt  }
0x6b: {  	_ =	shalt  }
0x6c: {  	_ =	shalt  }
0x6d: {  	_ =	shalt  }
0x6e: {  	_ =	shalt  }
0x6f: {  	_ =	shalt  }
0x70: {  	_ =	shalt  }
0x71: {  	_ =	shalt  }
0x72: {  	_ =	shalt  }
0x73: {  	_ =	shalt  }
0x74: {  	_ =	shalt  }
0x75: {  	_ =	shalt  }
0x76: {  	_ =	shalt  }
0x77: {  	_ =	shalt  }
0x78: {  	_ =	shalt  }
0x79: {  	_ =	shalt  }
0x7a: {  	_ =	shalt  }
0x7b: {  	_ =	shalt  }
0x7c: {  	_ =	shalt  }
0x7d: {  	_ =	shalt  }
0x7e: {  	_ =	shalt  }
0x7f: {  	_ =	shalt  }
0x80: {  	_ =	shalt  }
0x81: {  	_ =	shalt  }
0x82: {  	_ =	shalt  }
0x83: {  	_ =	shalt  }
0x84: {  	_ =	shalt  }
0x85: {  	_ =	shalt  }
0x86: {  	_ =	shalt  }
0x87: {  	_ =	shalt  }
.Lfunc_end0:
.L_simem_size_0:
called_computation_lowered:
.L_overlay_start_0:
0x88: {  	s2 =	sld [smem:$0x3FD9]  }
0x89: {  	s3 =	sld [smem:$0x3FFE];
	_ =	sdelay $0x1  }
0x8a: {  	s1 =	srdreg.scid  }
0x8b: {  	s0 =	sand.u32 $0x1, s1  }
0x8c: {  	s17 =	sshll.u32 s0, $0xA;
	s2 =	sadd.s32 s3, s2  }
0x8d: {  	s2 =	sadd.s32 s2, s17  }
0x8e: {  	[smem:$0x3FC4] =	sst s2  }
0x8f: {  	_ = 	snop  }
0x90: {  	s2 =	sld [smem:$0x3FC9]  }
0x91: {  	s18 =	sld [smem:$0x3FD0];
	(tm) =	ssettm $0x1  }
0x92: {  	s4 =	sld [smem:$0x3FFB];
	_ =	sdelay $0x3  }
0x93: {  	_ =	strace s4  }
0x94: {  	s4 =	sld [smem:$0x3FFC];
	_ =	sdelay $0x3  }
0x95: {  	_ =	strace s4  }
0x96: {  	s4 =	sld [smem:$0x3FFD];
	_ =	sdelay $0x3  }
0x97: {  	_ =	strace s4  }
0x98: {  	_ =	strace $0x8FFFFFFF  }
0x99: {  	s19 =	sld [smem:$0x3FDB];
	_ =	sdelay $0x1  }
0x9a: {  	s5 =	simm.s32 $_scs_section_size  }
0x9b: {  	s6 =	simm.s32 $_size__tile_overlayer_lowered;
	s7 =	simm.s32 $_tile_overlayer_lowered  }
0x9c: {  	s22 =	simm.s32 $0x1BFF;
	s21 =	sshll.u32 s7, $0x1;
	s4 =	sadd.s32 s5, s19  }
0x9d: {  	s8 =	simm.s32 $0x0;
	s20 =	sshll.u32 s6, $0x1;
	s6 =	sadd.s32 s21, s4  }
0x9e: {  	[timem:s8], [sflag:s22] =	dma.local [hbm:s6], s20  }
0x9f: {  	_ =	swait.ge [sflag:s22], s20  }
0xa0: {  	s5 =	ssub.s32 $0x0, s20;
	[sflag:s22] =	ssyncset.done $0x0  }
0xa1: {  	[sflag:s22] =	ssyncadd.s32 s5;
	_ =	sdelay $0x1  }
0xa2: {  	s23 =	simm.s32 $0x1B8B  }
0xa3: {  	_ =	swait.ge [sflag:s23], $0x1  }
0xa4: {  	[sflag:s23] =	ssyncset.done $0x0  }
0xa5: {  	s25 =	simm.s32 $0x1B8E;
	s24 =	sld [smem:$0x3FFE];
	[sflag:s23] =	ssyncadd.s32 $0xFFFFFFFF  }
0xa6: {  	s26 =	simm.s32 $execute0_lowered;
	[smem:$0x3FD2] =	sst s25  }
0xa7: {  	s6 =	sshll.u32 s26, $0x1;
	_ =	strace $0x80000046;
	[dreg:$0x1] =	wrdreg $0xFFFFFFFF  }
0xa8: {  	s28 =	simm.s32 $_size_execute0_lowered;
	s4 =	sadd.s32 s4, s6;
	[dreg:$0x0] =	wrdreg $0x0  }
0xa9: {  	s6 =	sshll.u32 s28, $0x1;
	[dreg:$0x2] =	wrdreg s4  }
0xaa: {  	[dreg:$0x3] =	wrdreg s6  }
0xab: {  	[dreg:$0x4] =	wrdreg $0xC0  }
0xac: {  	_ =	task [dreg:s8], $0x5FFFF  }
0xad: {  	[dreg:$0x1] =	wrdreg $0xFFFFFFFF  }
0xae: {  	[dreg:$0x0] =	wrdreg $0x60  }
0xaf: {  	[dreg:$0x2] =	wrdreg s2  }
0xb0: {  	[dreg:$0x3] =	wrdreg s18  }
0xb1: {  	[dreg:$0x4] =	wrdreg s24  }
0xb2: {  	[dreg:$0x5] =	wrdreg $0x102C00  }
0xb3: {  	[dreg:$0x6] =	wrdreg $0x19F000  }
0xb4: {  	[dreg:$0x7] =	wrdreg $0x9  }
0xb5: {  	_ =	task.clear_ibuf [dreg:s8], $0x8FFFF;
	_ =	strace $0x90000046  }
0xb6: {  	s29 =	simm.s32 $0x9;
	_ =	strace $0x80000048  }
0xb7: {  	_ =	swait.ge [sflag:s29], $0x1  }
0xb8: {  	[sflag:s29] =	ssyncadd.s32 $0xFFFFFFFF  }
0xb9: {  	_ =	strace $0x90000048  }
0xba: {  	_ =	sfence  }
0xbb: {  	s30 =	sld [smem:$0x0];
	_ =	sdelay $0x2  }
0xbc: {  	s31 =	sshll.u32 s1, $0xD;
	s1 =	sshrl.u32 s1, $0x2  }
0xbd: {  	s3 =	sand.u32 $0x4000, s31;
	s1 =	sadd.s32 s1, s30  }
0xbe: {  	s0 =	sor.u32 s3, s0;
	s1 =	sshll.u32 s1, $0x11  }
0xbf: {  	s0 =	sor.u32 s1, s0  }
0xc0: {  	s0 =	sadd.s32 $0x8F2B, s0  }
0xc1: {  	[sflag:s0] =	ssyncadd.remote.s32 $0x1  }
0xc2: {  	_ =	sfence.sel $0xFFFF  }
0xc3: {  	[dreg:$0x0] =	wrdreg $0xFFFFFFFF;
	(pc) =	sbr.abs _section_cstart, $3  }
0xc4: {  	[dreg:$0x1] =	wrdreg $0xFFFFFFFF  }
0xc5: {  	_ =	task.clear_ibuf [dreg:s8], $0x2FFFF;
	_ =	strace $0x9FFFFFFF  }
0xc6: {  	(tm) =	ssettm $0x7FFFFFFF  }
0xc7: {  	_ =	shalt  }
tec
execute0_lowered:
.L_overlay_start_1:
0x0: {  	(tag) =	ssettag $0x1  }
0x1: {  	s1 =	rddreg [dreg:$0x0]  }
0x2: {  	s0 =	rddreg [dreg:$0x1]  }
0x3: {  	s3 =	rddreg [dreg:$0x2]  }
0x4: {  	s2 =	rddreg [dreg:$0x3]  }
0x5: {  	s4 =	rddreg [dreg:$0x4]  }
0x6: {  	s14 =	simm.s32 $0x0;
	s13 =	stileid.u32;
	s17 =	srdreg.scid  }
0x7: {  	s29 =	simm.s32 $0xD840;
	s30 =	simm.s32 $0x1;
	s28 =	simm.s32 $0x4  }
0x8: {  	s31 =	simm.s32 $0x5;
	[smem:$0x7FF] =	sst s14;
	s5 =	smul.u32 $0x9C00, s13  }
0x9: {  	s6 =	sadd.s32 $0x2200, s3;
	s16 =	sadd.s32 $0x1E00, s3;
	s8 =	smul.u32 $0x1380, s13  }
0xa: {  	s12 =	smul.u32 $0x4E20, s13;
	_ =	strace $0x80000047;
	[dreg:$0x6] =	wrdreg s6  }
0xb: {  	s9 =	sadd.s32 $0x1C00, s3;
	s19 =	smul.u32 $0x4E00, s13;
	[dreg:$0x7] =	wrdreg s16  }
0xc: {  	s20 =	sshll.u32 s13, $0x6;
	s6 =	sand.u32 $0x1, s17;
	[dreg:$0x8] =	wrdreg s9  }
0xd: {  	s7 =	sshrl.u32 s5, $0x3;
	s18 =	ssub.s32 $0x2, s6;
	s10 =	sshrl.u32 s8, $0x3  }
0xe: {  	s15 =	sadd.s32 s5, s2;
	s12 =	sshrl.u32 s12, $0x3;
	s22 =	sshrl.u32 s19, $0x2  }
0xf: {  	p0 =	sne.s32 s6, $0x0;
	v0 =	vmov s6;
	s6 =	simm.s32 $0x0;
	s7 =	sadd.s32 s7, s3  }
0x10: {  	s11 =	sshrl.u32 s18, $0x1;
	s3 =	sadd.s32 s10, s3;
	s10 =	sor.u32 $0x1C0B, s20  }
0x11: {  	s21 =	sadd.s32 s0, s12;
	s0 =	sadd.s32 s22, s4;
	[dreg:$0x9] =	wrdreg s15  }
0x12: {  	s26 =	sshrl.u32 s15, $0x3;
	s22 =	simm.s32 $0x9C40;
	[dreg:$0xa] =	wrdreg s21  }
0x13: {  	s9 =	ssub.s32 s18, s11;
	s5 =	sadd.s32 $0x9C40, s21;
	[dreg:$0x10] =	wrdreg s26  }
0x14: {  	s23 =	sadd.s32 $0x3600, s7;
	s24 =	sadd.s32 $0x17000, s7;
	[dreg:$0xb] =	wrdreg s5  }
0x15: {  	s3 =	sadd.s32 $0x2AA00, s3;
	s11 =	simm.s32 $0x4E20;
	[dreg:$0xc] =	wrdreg s23  }
0x16: {  	s0 =	sshrl.u32 @!p0 s0, $0x3;
	s21 =	simm.s32 $0x50;
	[dreg:$0xd] =	wrdreg s24  }
0x17: {  	s26 =	simm.s32 $0xC440;
	[dreg:$0xe] =	wrdreg s3;
	s3 =	sadd.s32 s8, s4  }
0x18: {  	s25 =	smax.u32 s9, $0x1;
	[dreg:$0x11] =	wrdreg s0;
	s23 =	simm.s32 $0xB040  }
0x19: {  	[dreg:$0xf] =	wrdreg s25;
	s0 =	sshrl.u32 @!p0 s3, $0x3;
	s3 =	simm.s32 $0x2  }
0x1a: {  	s25 =	simm.s32 $0x3;
	[dreg:$0x12] =	wrdreg s0;
	s0 =	simm.s32 $0xEC40  }
.LBB2_1:
0x1b: {  	s5 =	rddreg [dreg:$0x6]  }
0x1c: {  	s7 =	rddreg [dreg:$0x10];
	s19 =	simm.s32 $0xB  }
0x1d: {  	[spmem:s7], [sflag:s10] =	dma.local [hbm:s5], $0x1400  }
0x1e: {  	_ =	swait.ge [sflag:s19], $0x1400  }
0x1f: {  	[sflag:s19] =	ssyncset.done $0x0  }
0x20: {  	s20 =	rddreg [dreg:$0xa];
	[sflag:s19] =	ssyncadd.s32 $0xFFFFEC00  }
0x21: {  	[tilespmem:s14], [sflag:$0xB] =	stream.linear.gather [hbm4b:s20+s14], $0x4E20, $0x38;
	[tilespmem:$0x1B288] =	vst v63  }
0x22: {  	_ =	swait.ge [sflag:s19], $0x4E20  }
0x23: {  	[sflag:s19] =	ssyncset.done $0x0  }
0x24: {  	s24 =	rddreg [dreg:$0xb];
	[sflag:s19] =	ssyncadd.s32 $0xFFFFB1E0  }
0x25: {  	[tilespmem:s11], [sflag:$0xB] =	stream.linear.gather [hbm4b:s24+s14], $0x4E20, $0x38;
	[tilespmem:$0x1B288] =	vst v63  }
0x26: {  	_ =	swait.ge [sflag:s19], $0x4E20  }
0x27: {  	[sflag:s19] =	ssyncset.done $0x0;
	s5 =	rddreg [dreg:$0x7]  }
0x28: {  	s7 =	rddreg [dreg:$0x11];
	[sflag:s19] =	ssyncadd.s32 $0xFFFFB1E0  }
0x29: {  	[spmem:s7], [sflag:s10] =	dma.local @!p0 [hbm:s5], $0x280  }
0x2a: {  	s5 =	simm.s32 @!p0 $0xB  }
0x2b: {  	_ =	swait.ge @!p0 [sflag:s5], $0x280  }
0x2c: {  	s8 =	simm.s32 @!p0 $0x10040;
	[sflag:s5] =	ssyncset.done @!p0 $0x0  }
0x2d: {  	s7 =	simm.s32 @!p0 $0x0;
	s9 =	rddreg [dreg:$0x8];
	[sflag:s5] =	ssyncadd.s32 @!p0 $0xFFFFFD80  }
0x2e: {  	[tilespmem:s8], [sflag:$0xB] =	stream.linear.gather @!p0 [hbm4b:s9+s7], $0x280, $0x38;
	[tilespmem:$0x1B288] =	vst v63  }
0x2f: {  	_ =	swait.ge @!p0 [sflag:s5], $0x280  }
0x30: {  	[sflag:s5] =	ssyncset.done @!p0 $0x0  }
0x31: {  	[sflag:s5] =	ssyncadd.s32 @!p0 $0xFFFFFD80;
	s5 =	simm.s32 $0x0  }
0x32: {  	v3 =	vld [tilespmem:s5+$0x0]  }
0x33: {  	v4 =	vld [tilespmem:s5+$0x10]  }
0x34: {  	v2 =	vld [tilespmem:s5+$0x20]  }
0x35: {  	s7 =	simm.s32 $0x140;
	v1 =	vld [tilespmem:s5+$0x30]  }
.LBB2_2:
0x36: {  	p1 =	sne.s32 s7, $0x13740;
	v5 =	vld [tilespmem:s5+$0x40]  }
0x37: {  	v3 =	vshll.u32 v3, $0x1  }
0x38: {  	v3 =	vor.u32 v0, v3;
	v4 =	vshll.u32 v4, $0x1  }
.Ltmp0:
0x39: {  	s8 =	sshra.s32 s7, $0x2;
	[tilespmem:s5+$0x0] =	vst v3;
	v4 =	vor.u32 v0, v4;
	v2 =	vshll.u32 v2, $0x1;
	(pc) =	sbr.rel @p1 .LBB2_2-.Ltmp0, $4  }
0x3a: {  	v3 =	vld [tilespmem:s8+$0x0];
	[tilespmem:s5+$0x10] =	vst v4;
	v2 =	vor.u32 v0, v2;
	v1 =	vshll.u32 v1, $0x1  }
0x3b: {  	v4 =	vld [tilespmem:s8+$0x10];
	[tilespmem:s5+$0x20] =	vst v2;
	v1 =	vor.u32 v0, v1;
	v5 =	vshll.u32 v5, $0x1  }
0x3c: {  	v2 =	vld [tilespmem:s8+$0x20];
	[tilespmem:s5+$0x30] =	vst v1;
	v5 =	vor.u32 v0, v5  }
0x3d: {  	s7 =	sadd.s32 $0x140, s7;
	v1 =	vld [tilespmem:s8+$0x30];
	[tilespmem:s5+$0x40] =	vst v5;
	s5 =	smov.u32 s8  }
0x3e: {  	v5 =	vld [tilespmem:s5+$0x40]  }
0x3f: {  	v3 =	vshll.u32 v3, $0x1  }
0x40: {  	v3 =	vor.u32 v0, v3;
	v4 =	vshll.u32 v4, $0x1  }
0x41: {  	[tilespmem:s5+$0x0] =	vst v3;
	v3 =	vor.u32 v0, v4;
	v2 =	vshll.u32 v2, $0x1  }
0x42: {  	[tilespmem:s5+$0x10] =	vst v3;
	v2 =	vor.u32 v0, v2;
	v1 =	vshll.u32 v1, $0x1  }
0x43: {  	[tilespmem:s5+$0x20] =	vst v2;
	v1 =	vor.u32 v0, v1;
	v2 =	vshll.u32 v5, $0x1  }
0x44: {  	[tilespmem:s5+$0x30] =	vst v1;
	v1 =	vor.u32 v0, v2  }
0x45: {  	[tilespmem:s5+$0x40] =	vst v1  }
0x46: {  	[bflag:$0x0] =	sbarrier.arrive $0xFFFF  }
0x47: {  	[tilespmem:s22], [sflag:$0x1] =	stream.indirect.gather [hbm4b:s1+s21], $0x40, s14, s21, $0xb8;
	[tilespmem:$0x1B288] =	vst v63  }
0x48: {  	_ = 	snop  }
0x49: {  	[tilespmem:s23], [sflag:$0x2] =	stream.indirect.gather [hbm4b:s1+s21], $0x40, s21, s21, $0xb8;
	[tilespmem:$0x1B288] =	vst v63  }
0x4a: {  	s13 =	simm.s32 $0xA0  }
0x4b: {  	[tilespmem:s26], [sflag:$0x3] =	stream.indirect.gather [hbm4b:s1+s21], $0x40, s13, s21, $0xb8;
	[tilespmem:$0x1B288] =	vst v63  }
0x4c: {  	s14 =	simm.s32 $0xF0  }
0x4d: {  	[tilespmem:s29], [sflag:$0x4] =	stream.indirect.gather [hbm4b:s1+s21], $0x40, s14, s21, $0xb8;
	[tilespmem:$0x1B288] =	vst v63  }
0x4e: {  	_ =	swait.ge [sflag:s30], $0x1400  }
0x4f: {  	[sflag:s30] =	ssyncset.done $0x0  }
0x50: {  	[sflag:s30] =	ssyncadd.s32 $0xFFFFEC00  }
0x51: {  	[spmem:s2] =	stream.indirect.scatter.add.f32 [tilespmem:s22], [sflag:$0x6], $0x40, s11, s21, $0xb8;
	[tilespmem:$0x1B288] =	vst v63  }
0x52: {  	s16 =	simm.s32 @!p0 $0x50;
	s20 =	simm.s32 @!p0 $0x10040;
	s5 =	simm.s32 @!p0 $0x4E20  }
0x53: {  	[spmem:s4] =	stream.indirect.scatter.add.f32 @!p0 [tilespmem:s20], [sflag:$0x6], $0x8, s5, s16, $0xb8;
	[tilespmem:$0x1B288] =	vst v63  }
0x54: {  	s15 =	simm.s32 $0x140  }
0x55: {  	[tilespmem:s0], [sflag:$0x5] =	stream.indirect.gather [hbm4b:s1+s21], $0x40, s15, s21, $0xb8;
	[tilespmem:$0x1B288] =	vst v63  }
0x56: {  	_ =	swait.ge [sflag:s3], $0x1400  }
0x57: {  	[sflag:s3] =	ssyncset.done $0x0  }
0x58: {  	s13 =	simm.s32 @p0 $0x6;
	s5 =	simm.s32 $0x4E70;
	[sflag:s3] =	ssyncadd.s32 $0xFFFFEC00  }
0x59: {  	[spmem:s2] =	stream.indirect.scatter.add.f32 [tilespmem:s23], [sflag:$0x7], $0x40, s5, s21, $0xb8;
	[tilespmem:$0x1B288] =	vst v63  }
0x5a: {  	_ =	swait.ge @p0 [sflag:s13], $0x1400  }
0x5b: {  	[sflag:s13] =	ssyncset.done @p0 $0x0  }
0x5c: {  	s7 =	simm.s32 @!p0 $0x6;
	[sflag:s13] =	ssyncadd.s32 @p0 $0xFFFFEC00  }
0x5d: {  	[spmem:s4] =	stream.indirect.scatter.add.f32 @!p0 [tilespmem:s20], [sflag:$0x7], $0x8, s5, s16, $0xb8;
	[tilespmem:$0x1B288] =	vst v63  }
0x5e: {  	_ =	swait.ge @!p0 [sflag:s7], $0x1400  }
0x5f: {  	[sflag:s7] =	ssyncset.done @!p0 $0x0  }
0x60: {  	[sflag:s7] =	ssyncadd.s32 @!p0 $0xFFFFEC00  }
0x61: {  	_ =	swait.ge @!p0 [sflag:s7], $0x280  }
0x62: {  	[sflag:s7] =	ssyncset.done @!p0 $0x0  }
0x63: {  	s17 =	simm.s32 $0x190;
	[sflag:s7] =	ssyncadd.s32 @!p0 $0xFFFFFD80  }
0x64: {  	[tilespmem:s22], [sflag:$0x1] =	stream.indirect.gather [hbm4b:s1+s21], $0x40, s17, s21, $0xb8;
	[tilespmem:$0x1B288] =	vst v63  }
0x65: {  	_ =	swait.ge [sflag:s25], $0x1400  }
0x66: {  	[sflag:s25] =	ssyncset.done $0x0  }
0x67: {  	s14 =	simm.s32 @p0 $0x7;
	s5 =	simm.s32 $0x4EC0;
	[sflag:s25] =	ssyncadd.s32 $0xFFFFEC00  }
0x68: {  	[spmem:s2] =	stream.indirect.scatter.add.f32 [tilespmem:s26], [sflag:$0x8], $0x40, s5, s21, $0xb8;
	[tilespmem:$0x1B288] =	vst v63  }
0x69: {  	_ =	swait.ge @p0 [sflag:s14], $0x1400  }
0x6a: {  	[sflag:s14] =	ssyncset.done @p0 $0x0  }
0x6b: {  	s8 =	simm.s32 @!p0 $0x7;
	[sflag:s14] =	ssyncadd.s32 @p0 $0xFFFFEC00  }
0x6c: {  	[spmem:s4] =	stream.indirect.scatter.add.f32 @!p0 [tilespmem:s20], [sflag:$0x8], $0x8, s5, s16, $0xb8;
	[tilespmem:$0x1B288] =	vst v63  }
0x6d: {  	_ =	swait.ge @!p0 [sflag:s8], $0x1400  }
0x6e: {  	[sflag:s8] =	ssyncset.done @!p0 $0x0  }
0x6f: {  	[sflag:s8] =	ssyncadd.s32 @!p0 $0xFFFFEC00  }
0x70: {  	_ =	swait.ge @!p0 [sflag:s8], $0x280  }
0x71: {  	[sflag:s8] =	ssyncset.done @!p0 $0x0  }
0x72: {  	s18 =	simm.s32 $0x1E0;
	[sflag:s8] =	ssyncadd.s32 @!p0 $0xFFFFFD80  }
0x73: {  	[tilespmem:s23], [sflag:$0x2] =	stream.indirect.gather [hbm4b:s1+s21], $0x40, s18, s21, $0xb8;
	[tilespmem:$0x1B288] =	vst v63  }
0x74: {  	_ =	swait.ge [sflag:s28], $0x1400  }
0x75: {  	[sflag:s28] =	ssyncset.done $0x0  }
0x76: {  	s17 =	simm.s32 @p0 $0x8;
	s5 =	simm.s32 $0x4F10;
	[sflag:s28] =	ssyncadd.s32 $0xFFFFEC00  }
0x77: {  	[spmem:s2] =	stream.indirect.scatter.add.f32 [tilespmem:s29], [sflag:$0x9], $0x40, s5, s21, $0xb8;
	[tilespmem:$0x1B288] =	vst v63  }
0x78: {  	_ =	swait.ge @p0 [sflag:s17], $0x1400  }
0x79: {  	[sflag:s17] =	ssyncset.done @p0 $0x0  }
0x7a: {  	s12 =	simm.s32 @!p0 $0x8;
	[sflag:s17] =	ssyncadd.s32 @p0 $0xFFFFEC00  }
0x7b: {  	[spmem:s4] =	stream.indirect.scatter.add.f32 @!p0 [tilespmem:s20], [sflag:$0x9], $0x8, s5, s16, $0xb8;
	[tilespmem:$0x1B288] =	vst v63  }
0x7c: {  	_ =	swait.ge @!p0 [sflag:s12], $0x1400  }
0x7d: {  	[sflag:s12] =	ssyncset.done @!p0 $0x0  }
0x7e: {  	[sflag:s12] =	ssyncadd.s32 @!p0 $0xFFFFEC00  }
0x7f: {  	_ =	swait.ge @!p0 [sflag:s12], $0x280  }
0x80: {  	[sflag:s12] =	ssyncset.done @!p0 $0x0  }
0x81: {  	s19 =	simm.s32 $0x230;
	[sflag:s12] =	ssyncadd.s32 @!p0 $0xFFFFFD80  }
0x82: {  	[tilespmem:s26], [sflag:$0x3] =	stream.indirect.gather [hbm4b:s1+s21], $0x40, s19, s21, $0xb8;
	[tilespmem:$0x1B288] =	vst v63  }
0x83: {  	_ =	swait.ge [sflag:s31], $0x1400  }
0x84: {  	[sflag:s31] =	ssyncset.done $0x0  }
0x85: {  	s11 =	simm.s32 @p0 $0x9;
	s5 =	simm.s32 $0x4F60;
	[sflag:s31] =	ssyncadd.s32 $0xFFFFEC00  }
0x86: {  	[spmem:s2] =	stream.indirect.scatter.add.f32 [tilespmem:s0], [sflag:$0xA], $0x40, s5, s21, $0xb8;
	[tilespmem:$0x1B288] =	vst v63  }
0x87: {  	_ =	swait.ge @p0 [sflag:s11], $0x1400  }
0x88: {  	[sflag:s11] =	ssyncset.done @p0 $0x0  }
0x89: {  	s19 =	simm.s32 @!p0 $0x9;
	[sflag:s11] =	ssyncadd.s32 @p0 $0xFFFFEC00  }
0x8a: {  	[spmem:s4] =	stream.indirect.scatter.add.f32 @!p0 [tilespmem:s20], [sflag:$0xA], $0x8, s5, s16, $0xb8;
	[tilespmem:$0x1B288] =	vst v63  }
0x8b: {  	_ =	swait.ge @!p0 [sflag:s19], $0x1400  }
0x8c: {  	[sflag:s19] =	ssyncset.done @!p0 $0x0  }
0x8d: {  	[sflag:s19] =	ssyncadd.s32 @!p0 $0xFFFFEC00  }
0x8e: {  	_ =	swait.ge @!p0 [sflag:s19], $0x280  }
0x8f: {  	[sflag:s19] =	ssyncset.done @!p0 $0x0  }
0x90: {  	s24 =	simm.s32 $0x280;
	[sflag:s19] =	ssyncadd.s32 @!p0 $0xFFFFFD80  }
0x91: {  	[tilespmem:s29], [sflag:$0x4] =	stream.indirect.gather [hbm4b:s1+s21], $0x40, s24, s21, $0xb8;
	[tilespmem:$0x1B288] =	vst v63  }
0x92: {  	_ =	swait.ge [sflag:s30], $0x1400  }
0x93: {  	[sflag:s30] =	ssyncset.done $0x0  }
0x94: {  	s5 =	simm.s32 $0x4FB0;
	s24 =	simm.s32 @p0 $0xA;
	[sflag:s30] =	ssyncadd.s32 $0xFFFFEC00  }
0x95: {  	[spmem:s2] =	stream.indirect.scatter.add.f32 [tilespmem:s22], [sflag:$0x6], $0x40, s5, s21, $0xb8;
	[tilespmem:$0x1B288] =	vst v63  }
0x96: {  	_ =	swait.ge @p0 [sflag:s24], $0x1400  }
0x97: {  	[sflag:s24] =	ssyncset.done @p0 $0x0  }
0x98: {  	s15 =	simm.s32 @!p0 $0xA;
	[sflag:s24] =	ssyncadd.s32 @p0 $0xFFFFEC00  }
0x99: {  	[spmem:s4] =	stream.indirect.scatter.add.f32 @!p0 [tilespmem:s20], [sflag:$0x6], $0x8, s5, s16, $0xb8;
	[tilespmem:$0x1B288] =	vst v63  }
0x9a: {  	_ =	swait.ge @!p0 [sflag:s15], $0x1400  }
0x9b: {  	[sflag:s15] =	ssyncset.done @!p0 $0x0  }
0x9c: {  	[sflag:s15] =	ssyncadd.s32 @!p0 $0xFFFFEC00  }
0x9d: {  	_ =	swait.ge @!p0 [sflag:s15], $0x280  }
0x9e: {  	[sflag:s15] =	ssyncset.done @!p0 $0x0  }
0x9f: {  	s9 =	simm.s32 $0x2D0;
	s5 =	simm.s32 $0x640;
	[sflag:s15] =	ssyncadd.s32 @!p0 $0xFFFFFD80  }
.LBB2_4:
0xa0: {  	[tilespmem:s0], [sflag:$0x5] =	stream.indirect.gather [hbm4b:s1+s21], $0x40, s9, s21, $0xb8;
	[tilespmem:$0x1B288] =	vst v63  }
0xa1: {  	s9 =	smov.u32 s5;
	s5 =	sadd.s32 $0x640, s5;
	_ =	swait.ge [sflag:s3], $0x1400  }
0xa2: {  	s9 =	sshra.s32 s9, $0x2;
	p1 =	sne.s32 s5, $0x13240;
	[sflag:s3] =	ssyncset.done $0x0  }
0xa3: {  	s18 =	sadd.s32 $0x4E70, s9;
	[sflag:s3] =	ssyncadd.s32 $0xFFFFEC00  }
0xa4: {  	[spmem:s2] =	stream.indirect.scatter.add.f32 [tilespmem:s23], [sflag:$0x7], $0x40, s18, s21, $0xb8;
	[tilespmem:$0x1B288] =	vst v63  }
0xa5: {  	_ =	swait.ge @p0 [sflag:s13], $0x1400  }
0xa6: {  	[sflag:s13] =	ssyncset.done @p0 $0x0  }
0xa7: {  	[sflag:s13] =	ssyncadd.s32 @p0 $0xFFFFEC00  }
0xa8: {  	[spmem:s4] =	stream.indirect.scatter.add.f32 @!p0 [tilespmem:s20], [sflag:$0x7], $0x8, s18, s16, $0xb8;
	[tilespmem:$0x1B288] =	vst v63  }
0xa9: {  	_ =	swait.ge @!p0 [sflag:s7], $0x1400  }
0xaa: {  	[sflag:s7] =	ssyncset.done @!p0 $0x0  }
0xab: {  	[sflag:s7] =	ssyncadd.s32 @!p0 $0xFFFFEC00  }
0xac: {  	_ =	swait.ge @!p0 [sflag:s7], $0x280  }
0xad: {  	[sflag:s7] =	ssyncset.done @!p0 $0x0  }
0xae: {  	s18 =	sadd.s32 $0x190, s9;
	[sflag:s7] =	ssyncadd.s32 @!p0 $0xFFFFFD80  }
0xaf: {  	[tilespmem:s22], [sflag:$0x1] =	stream.indirect.gather [hbm4b:s1+s21], $0x40, s18, s21, $0xb8;
	[tilespmem:$0x1B288] =	vst v63  }
0xb0: {  	_ =	swait.ge [sflag:s25], $0x1400  }
0xb1: {  	[sflag:s25] =	ssyncset.done $0x0  }
0xb2: {  	s18 =	sadd.s32 $0x4EC0, s9;
	[sflag:s25] =	ssyncadd.s32 $0xFFFFEC00  }
0xb3: {  	[spmem:s2] =	stream.indirect.scatter.add.f32 [tilespmem:s26], [sflag:$0x8], $0x40, s18, s21, $0xb8;
	[tilespmem:$0x1B288] =	vst v63  }
0xb4: {  	_ =	swait.ge @p0 [sflag:s14], $0x1400  }
0xb5: {  	[sflag:s14] =	ssyncset.done @p0 $0x0  }
0xb6: {  	[sflag:s14] =	ssyncadd.s32 @p0 $0xFFFFEC00  }
0xb7: {  	[spmem:s4] =	stream.indirect.scatter.add.f32 @!p0 [tilespmem:s20], [sflag:$0x8], $0x8, s18, s16, $0xb8;
	[tilespmem:$0x1B288] =	vst v63  }
0xb8: {  	_ =	swait.ge @!p0 [sflag:s8], $0x1400  }
0xb9: {  	[sflag:s8] =	ssyncset.done @!p0 $0x0  }
0xba: {  	[sflag:s8] =	ssyncadd.s32 @!p0 $0xFFFFEC00  }
0xbb: {  	_ =	swait.ge @!p0 [sflag:s8], $0x280  }
0xbc: {  	[sflag:s8] =	ssyncset.done @!p0 $0x0  }
0xbd: {  	s18 =	sadd.s32 $0x1E0, s9;
	[sflag:s8] =	ssyncadd.s32 @!p0 $0xFFFFFD80  }
0xbe: {  	[tilespmem:s23], [sflag:$0x2] =	stream.indirect.gather [hbm4b:s1+s21], $0x40, s18, s21, $0xb8;
	[tilespmem:$0x1B288] =	vst v63  }
0xbf: {  	_ =	swait.ge [sflag:s28], $0x1400  }
0xc0: {  	[sflag:s28] =	ssyncset.done $0x0  }
0xc1: {  	s18 =	sadd.s32 $0x4F10, s9;
	[sflag:s28] =	ssyncadd.s32 $0xFFFFEC00  }
0xc2: {  	[spmem:s2] =	stream.indirect.scatter.add.f32 [tilespmem:s29], [sflag:$0x9], $0x40, s18, s21, $0xb8;
	[tilespmem:$0x1B288] =	vst v63  }
0xc3: {  	_ =	swait.ge @p0 [sflag:s17], $0x1400  }
0xc4: {  	[sflag:s17] =	ssyncset.done @p0 $0x0  }
0xc5: {  	[sflag:s17] =	ssyncadd.s32 @p0 $0xFFFFEC00  }
0xc6: {  	[spmem:s4] =	stream.indirect.scatter.add.f32 @!p0 [tilespmem:s20], [sflag:$0x9], $0x8, s18, s16, $0xb8;
	[tilespmem:$0x1B288] =	vst v63  }
0xc7: {  	_ =	swait.ge @!p0 [sflag:s12], $0x1400  }
0xc8: {  	[sflag:s12] =	ssyncset.done @!p0 $0x0  }
0xc9: {  	[sflag:s12] =	ssyncadd.s32 @!p0 $0xFFFFEC00  }
0xca: {  	_ =	swait.ge @!p0 [sflag:s12], $0x280  }
0xcb: {  	[sflag:s12] =	ssyncset.done @!p0 $0x0  }
0xcc: {  	s18 =	sadd.s32 $0x230, s9;
	[sflag:s12] =	ssyncadd.s32 @!p0 $0xFFFFFD80  }
0xcd: {  	[tilespmem:s26], [sflag:$0x3] =	stream.indirect.gather [hbm4b:s1+s21], $0x40, s18, s21, $0xb8;
	[tilespmem:$0x1B288] =	vst v63  }
0xce: {  	_ =	swait.ge [sflag:s31], $0x1400  }
0xcf: {  	[sflag:s31] =	ssyncset.done $0x0  }
0xd0: {  	s18 =	sadd.s32 $0x4F60, s9;
	[sflag:s31] =	ssyncadd.s32 $0xFFFFEC00  }
0xd1: {  	[spmem:s2] =	stream.indirect.scatter.add.f32 [tilespmem:s0], [sflag:$0xA], $0x40, s18, s21, $0xb8;
	[tilespmem:$0x1B288] =	vst v63  }
0xd2: {  	_ =	swait.ge @p0 [sflag:s11], $0x1400  }
0xd3: {  	[sflag:s11] =	ssyncset.done @p0 $0x0  }
0xd4: {  	[sflag:s11] =	ssyncadd.s32 @p0 $0xFFFFEC00  }
0xd5: {  	[spmem:s4] =	stream.indirect.scatter.add.f32 @!p0 [tilespmem:s20], [sflag:$0xA], $0x8, s18, s16, $0xb8;
	[tilespmem:$0x1B288] =	vst v63  }
0xd6: {  	_ =	swait.ge @!p0 [sflag:s19], $0x1400  }
0xd7: {  	[sflag:s19] =	ssyncset.done @!p0 $0x0  }
0xd8: {  	[sflag:s19] =	ssyncadd.s32 @!p0 $0xFFFFEC00  }
0xd9: {  	_ =	swait.ge @!p0 [sflag:s19], $0x280  }
0xda: {  	[sflag:s19] =	ssyncset.done @!p0 $0x0  }
0xdb: {  	s18 =	sadd.s32 $0x280, s9;
	[sflag:s19] =	ssyncadd.s32 @!p0 $0xFFFFFD80  }
0xdc: {  	[tilespmem:s29], [sflag:$0x4] =	stream.indirect.gather [hbm4b:s1+s21], $0x40, s18, s21, $0xb8;
	[tilespmem:$0x1B288] =	vst v63  }
0xdd: {  	_ =	swait.ge [sflag:s30], $0x1400  }
0xde: {  	[sflag:s30] =	ssyncset.done $0x0  }
0xdf: {  	s18 =	sadd.s32 $0x4FB0, s9;
	[sflag:s30] =	ssyncadd.s32 $0xFFFFEC00  }
0xe0: {  	[spmem:s2] =	stream.indirect.scatter.add.f32 [tilespmem:s22], [sflag:$0x6], $0x40, s18, s21, $0xb8;
	[tilespmem:$0x1B288] =	vst v63  }
0xe1: {  	_ =	swait.ge @p0 [sflag:s24], $0x1400  }
0xe2: {  	[sflag:s24] =	ssyncset.done @p0 $0x0  }
0xe3: {  	[sflag:s24] =	ssyncadd.s32 @p0 $0xFFFFEC00  }
0xe4: {  	[spmem:s4] =	stream.indirect.scatter.add.f32 @!p0 [tilespmem:s20], [sflag:$0x6], $0x8, s18, s16, $0xb8;
	[tilespmem:$0x1B288] =	vst v63  }
0xe5: {  	_ =	swait.ge @!p0 [sflag:s15], $0x1400  }
.Ltmp1:
0xe6: {  	[sflag:s15] =	ssyncset.done @!p0 $0x0;
	(pc) =	sbr.rel @p1 .LBB2_4-.Ltmp1, $4  }
0xe7: {  	[sflag:s15] =	ssyncadd.s32 @!p0 $0xFFFFEC00  }
0xe8: {  	_ =	swait.ge @!p0 [sflag:s15], $0x280  }
0xe9: {  	[sflag:s15] =	ssyncset.done @!p0 $0x0  }
0xea: {  	s9 =	sadd.s32 $0x2D0, s9;
	[sflag:s15] =	ssyncadd.s32 @!p0 $0xFFFFFD80  }
0xeb: {  	[tilespmem:s0], [sflag:$0x5] =	stream.indirect.gather [hbm4b:s1+s21], $0x40, s9, s21, $0xb8;
	[tilespmem:$0x1B288] =	vst v63  }
0xec: {  	_ =	swait.ge [sflag:s3], $0x1400  }
0xed: {  	[sflag:s3] =	ssyncset.done $0x0  }
0xee: {  	s5 =	simm.s32 $0x9B00;
	[sflag:s3] =	ssyncadd.s32 $0xFFFFEC00  }
0xef: {  	[spmem:s2] =	stream.indirect.scatter.add.f32 [tilespmem:s23], [sflag:$0x7], $0x40, s5, s21, $0xb8;
	[tilespmem:$0x1B288] =	vst v63  }
0xf0: {  	s5 =	simm.s32 @p0 $0x3  }
0xf1: {  	_ =	swait.ge @p0 [sflag:s5], $0x1400  }
0xf2: {  	s9 =	simm.s32 @p0 $0x9B50;
	[sflag:s5] =	ssyncset.done @p0 $0x0  }
0xf3: {  	s16 =	simm.s32 @p0 $0xC440;
	[sflag:s5] =	ssyncadd.s32 @p0 $0xFFFFEC00;
	s5 =	simm.s32 @p0 $0x50  }
0xf4: {  	[spmem:s2] =	stream.indirect.scatter.add.f32 @p0 [tilespmem:s16], [sflag:$0x8], $0x40, s9, s5, $0xb8;
	[tilespmem:$0x1B288] =	vst v63  }
0xf5: {  	s18 =	simm.s32 @!p0 $0x10040;
	s9 =	simm.s32 @!p0 $0x50;
	s16 =	simm.s32 @!p0 $0x9B00  }
0xf6: {  	[spmem:s4] =	stream.indirect.scatter.add.f32 @!p0 [tilespmem:s18], [sflag:$0x7], $0x8, s16, s9, $0xb8;
	[tilespmem:$0x1B288] =	vst v63  }
0xf7: {  	s16 =	simm.s32 @!p0 $0x3  }
0xf8: {  	_ =	swait.ge @!p0 [sflag:s16], $0x1400  }
0xf9: {  	[sflag:s16] =	ssyncset.done @!p0 $0x0  }
0xfa: {  	s20 =	simm.s32 @!p0 $0xC440;
	[sflag:s16] =	ssyncadd.s32 @!p0 $0xFFFFEC00;
	s16 =	simm.s32 @!p0 $0x9B50  }
0xfb: {  	[spmem:s2] =	stream.indirect.scatter.add.f32 @!p0 [tilespmem:s20], [sflag:$0x8], $0x40, s16, s9, $0xb8;
	[tilespmem:$0x1B288] =	vst v63  }
0xfc: {  	_ = 	snop  }
0xfd: {  	[spmem:s4] =	stream.indirect.scatter.add.f32 @!p0 [tilespmem:s18], [sflag:$0x8], $0x8, s16, s9, $0xb8;
	[tilespmem:$0x1B288] =	vst v63  }
0xfe: {  	_ =	swait.ge [sflag:s28], $0x1400  }
0xff: {  	[sflag:s28] =	ssyncset.done $0x0  }
0x100: {  	s20 =	simm.s32 $0x9BA0;
	s16 =	simm.s32 @p0 $0x5;
	[sflag:s28] =	ssyncadd.s32 $0xFFFFEC00  }
0x101: {  	[spmem:s2] =	stream.indirect.scatter.add.f32 [tilespmem:s29], [sflag:$0x9], $0x40, s20, s21, $0xb8;
	[tilespmem:$0x1B288] =	vst v63  }
0x102: {  	_ =	swait.ge @p0 [sflag:s16], $0x1400  }
0x103: {  	[sflag:s16] =	ssyncset.done @p0 $0x0  }
0x104: {  	s20 =	simm.s32 @p0 $0xEC40;
	[sflag:s16] =	ssyncadd.s32 @p0 $0xFFFFEC00;
	s16 =	simm.s32 @p0 $0x9BF0  }
0x105: {  	[spmem:s2] =	stream.indirect.scatter.add.f32 @p0 [tilespmem:s20], [sflag:$0xA], $0x40, s16, s5, $0xb8;
	[tilespmem:$0x1B288] =	vst v63  }
0x106: {  	_ =	swait.ge @p0 [sflag:s13], $0x1400  }
0x107: {  	[sflag:s13] =	ssyncset.done @p0 $0x0  }
0x108: {  	[sflag:s13] =	ssyncadd.s32 @p0 $0xFFFFEC00  }
0x109: {  	_ =	swait.ge @p0 [sflag:s14], $0x1400  }
0x10a: {  	[sflag:s14] =	ssyncset.done @p0 $0x0  }
0x10b: {  	[sflag:s14] =	ssyncadd.s32 @p0 $0xFFFFEC00  }
0x10c: {  	_ =	swait.ge @p0 [sflag:s17], $0x1400  }
0x10d: {  	[sflag:s17] =	ssyncset.done @p0 $0x0  }
0x10e: {  	[sflag:s17] =	ssyncadd.s32 @p0 $0xFFFFEC00  }
0x10f: {  	_ =	swait.ge @p0 [sflag:s11], $0x1400  }
0x110: {  	[sflag:s11] =	ssyncset.done @p0 $0x0  }
0x111: {  	[sflag:s11] =	ssyncadd.s32 @p0 $0xFFFFEC00  }
0x112: {  	_ =	swait.ge @p0 [sflag:s24], $0x1400  }
0x113: {  	[sflag:s24] =	ssyncset.done @p0 $0x0  }
0x114: {  	[sflag:s24] =	ssyncadd.s32 @p0 $0xFFFFEC00  }
0x115: {  	[bflag:$0x0] =	sbarrier.arrive @p0 $0xFFFF  }
0x116: {  	s13 =	rddreg [dreg:$0x9]  }
0x117: {  	s11 =	rddreg [dreg:$0xc];
	s5 =	sshrl.u32 @p0 s13, $0x3  }
0x118: {  	[hbm:s11], [sflag:s10] =	dma.local @p0 [spmem:s5], $0x1400  }
0x119: {  	s5 =	simm.s32 @p0 $0xB  }
0x11a: {  	_ =	swait.ge @p0 [sflag:s5], $0x1400  }
0x11b: {  	[sflag:s5] =	ssyncset.done @p0 $0x0  }
0x11c: {  	[sflag:s5] =	ssyncadd.s32 @p0 $0xFFFFEC00;
	s5 =	simm.s32 @!p0 $0x9BA0  }
0x11d: {  	[spmem:s4] =	stream.indirect.scatter.add.f32 @!p0 [tilespmem:s18], [sflag:$0x9], $0x8, s5, s9, $0xb8;
	[tilespmem:$0x1B288] =	vst v63  }
0x11e: {  	s5 =	simm.s32 @!p0 $0x5  }
0x11f: {  	_ =	swait.ge @!p0 [sflag:s5], $0x1400  }
0x120: {  	[sflag:s5] =	ssyncset.done @!p0 $0x0  }
0x121: {  	s11 =	simm.s32 @!p0 $0xEC40;
	[sflag:s5] =	ssyncadd.s32 @!p0 $0xFFFFEC00;
	s5 =	simm.s32 @!p0 $0x9BF0  }
0x122: {  	[spmem:s2] =	stream.indirect.scatter.add.f32 @!p0 [tilespmem:s11], [sflag:$0xA], $0x40, s5, s9, $0xb8;
	[tilespmem:$0x1B288] =	vst v63  }
0x123: {  	_ = 	snop  }
0x124: {  	[spmem:s4] =	stream.indirect.scatter.add.f32 @!p0 [tilespmem:s18], [sflag:$0xA], $0x8, s5, s9, $0xb8;
	[tilespmem:$0x1B288] =	vst v63  }
0x125: {  	_ =	swait.ge @!p0 [sflag:s7], $0x1400  }
0x126: {  	[sflag:s7] =	ssyncset.done @!p0 $0x0  }
0x127: {  	[sflag:s7] =	ssyncadd.s32 @!p0 $0xFFFFEC00  }
0x128: {  	_ =	swait.ge @!p0 [sflag:s7], $0x280  }
0x129: {  	[sflag:s7] =	ssyncset.done @!p0 $0x0  }
0x12a: {  	[sflag:s7] =	ssyncadd.s32 @!p0 $0xFFFFFD80  }
0x12b: {  	_ =	swait.ge @!p0 [sflag:s8], $0x1400  }
0x12c: {  	[sflag:s8] =	ssyncset.done @!p0 $0x0  }
0x12d: {  	[sflag:s8] =	ssyncadd.s32 @!p0 $0xFFFFEC00  }
0x12e: {  	_ =	swait.ge @!p0 [sflag:s8], $0x280  }
0x12f: {  	[sflag:s8] =	ssyncset.done @!p0 $0x0  }
0x130: {  	[sflag:s8] =	ssyncadd.s32 @!p0 $0xFFFFFD80  }
0x131: {  	_ =	swait.ge @!p0 [sflag:s12], $0x1400  }
0x132: {  	[sflag:s12] =	ssyncset.done @!p0 $0x0  }
0x133: {  	[sflag:s12] =	ssyncadd.s32 @!p0 $0xFFFFEC00  }
0x134: {  	_ =	swait.ge @!p0 [sflag:s12], $0x280  }
0x135: {  	[sflag:s12] =	ssyncset.done @!p0 $0x0  }
0x136: {  	[sflag:s12] =	ssyncadd.s32 @!p0 $0xFFFFFD80  }
0x137: {  	_ =	swait.ge @!p0 [sflag:s19], $0x1400  }
0x138: {  	[sflag:s19] =	ssyncset.done @!p0 $0x0  }
0x139: {  	[sflag:s19] =	ssyncadd.s32 @!p0 $0xFFFFEC00  }
0x13a: {  	_ =	swait.ge @!p0 [sflag:s19], $0x280  }
0x13b: {  	[sflag:s19] =	ssyncset.done @!p0 $0x0  }
0x13c: {  	[sflag:s19] =	ssyncadd.s32 @!p0 $0xFFFFFD80  }
0x13d: {  	_ =	swait.ge @!p0 [sflag:s15], $0x1400  }
0x13e: {  	[sflag:s15] =	ssyncset.done @!p0 $0x0  }
0x13f: {  	[sflag:s15] =	ssyncadd.s32 @!p0 $0xFFFFEC00  }
0x140: {  	_ =	swait.ge @!p0 [sflag:s15], $0x280  }
0x141: {  	[sflag:s15] =	ssyncset.done @!p0 $0x0  }
0x142: {  	[sflag:s15] =	ssyncadd.s32 @!p0 $0xFFFFFD80  }
0x143: {  	[bflag:$0x0] =	sbarrier.arrive @!p0 $0xFFFF  }
0x144: {  	s5 =	sshrl.u32 @!p0 s13, $0x3;
	s7 =	rddreg [dreg:$0xd]  }
0x145: {  	[hbm:s7], [sflag:s10] =	dma.local @!p0 [spmem:s5], $0x1400  }
0x146: {  	s5 =	simm.s32 @!p0 $0xB  }
0x147: {  	_ =	swait.ge @!p0 [sflag:s5], $0x1400  }
0x148: {  	[sflag:s5] =	ssyncset.done @!p0 $0x0;
	s7 =	rddreg [dreg:$0xe]  }
0x149: {  	s8 =	rddreg [dreg:$0x12];
	[sflag:s5] =	ssyncadd.s32 @!p0 $0xFFFFEC00  }
0x14a: {  	[hbm:s7], [sflag:s10] =	dma.local @!p0 [spmem:s8], $0x280  }
0x14b: {  	_ =	swait.ge @!p0 [sflag:s5], $0x280  }
0x14c: {  	s6 =	sadd.s32 $0x1, s6;
	s24 =	rddreg [dreg:$0xf]  }
0x14d: {  	p1 =	sne.s32 s6, s24  }
.Ltmp2:
0x14e: {  	_ = 	snop;
	(pc) =	sbr.rel @p1 .LBB2_1-.Ltmp2, $3  }
0x14f: {  	_ =	sdelay $0x1  }
0x150: {  	[sflag:s5] =	ssyncset.done @!p0 $0x0  }
0x151: {  	s14 =	simm.s32 $0x0;
	s11 =	simm.s32 $0x4E20;
	[sflag:s5] =	ssyncadd.s32 @!p0 $0xFFFFFD80  }
0x152: {  	_ =	sfence.sel $0x180000  }
0x153: {  	[bflag:$0x0] =	sbarrier.arrive $0xFFFF  }
0x154: {  	_ =	strace $0x90000047  }
0x155: {  	s0 =	stileid.u32;
	[bflag:$0x2] =	sbarrier.arrive $0xFFFF  }
0x156: {  	p0 =	sne.s32 s0, $0x0;
	s0 =	rddreg [dreg:$0x5]  }
0x157: {  	s0 =	sadd.s32 @!p0 $0x100000, s0  }
0x158: {  	[sflag:s0] =	ssyncadd.tile.s32 @!p0 $0x1;
	_ =	shalt  }
.Lfunc_end2:
_tile_overlayer_lowered:
.L_overlay_start_2:
0x159: {  	(tag) =	ssettag $0x2  }
0x15a: {  	s0 =	rddreg [dreg:$0x0];
	s2 =	stileid.u32  }
0x15b: {  	s1 =	rddreg [dreg:$0x1];
	p0 =	sne.s32 s2, $0x0  }
0x15c: {  	s3 =	rddreg [dreg:$0x2];
	[bflag:$0x3] =	sbarrier.arrive $0xFFFF;
	s2 =	simm.s32 @!p0 $0x1C0B  }
0x15d: {  	[timem:s3], [sflag:s2] =	dma.local @!p0 [hbm:s0], s1  }
0x15e: {  	s0 =	simm.s32 @!p0 $0xB  }
0x15f: {  	_ =	swait.ge @!p0 [sflag:s0], s1  }
0x160: {  	s1 =	ssub.s32 @!p0 $0x0, s1;
	[sflag:s0] =	ssyncset.done @!p0 $0x0  }
0x161: {  	[sflag:s0] =	ssyncadd.s32 @!p0 s1  }
0x162: {  	[bflag:$0x3] =	sbarrier.arrive $0xFFFF  }
0x163: {  	_ =	shalt  }

</sc_bundles>
